<compile_context>
chip_gen: v7x
topology: tpu7x:2x2x1
jax: 0.10.2.dev20260603
libtpu: 0.0.44.dev20260713+nightly
codegen_flags: <defaults>
</compile_context>

<pallas_src>
import functools

import jax
import jax.numpy as jnp
from jax import lax
from jax.experimental import pallas as pl
from jax.experimental.pallas import tpu as pltpu
from jax.experimental.pallas import tpu_sc as plsc

_N = 10000
_E = 320000
_NSUB = 16
_CHUNK = 128
_NPAD = 10112
_RPS = _NPAD // _NSUB
_EPAD = 323584
_CPW = _EPAD // (32 * _CHUNK)
_CPS = _EPAD // (_NSUB * _CHUNK)


def _mesh():
    return plsc.VectorSubcoreMesh(core_axis_name="c", subcore_axis_name="s")


def _make_agg(esplit):
    out_type = [
        jax.ShapeDtypeStruct((_NPAD, 128), jnp.float32),
        jax.ShapeDtypeStruct((_NPAD, 128), jnp.float32),
    ]
    scratch = [
        pltpu.VMEM((_CPW, 2, _CHUNK), jnp.int32),
        pltpu.VMEM((_CHUNK, 128), jnp.float32),
        pltpu.VMEM_SHARED((_NPAD, 128), jnp.float32),
        pltpu.SemaphoreType.DMA,
    ]

    @functools.partial(
        pl.kernel, mesh=_mesh(), out_type=out_type, scratch_types=scratch
    )
    def k(e_r, hlo_r, hhi_r, zf_r, alo_r, ahi_r,
          idxb, rows, agg_sh, sem):
        cid = lax.axis_index("c")
        sid = lax.axis_index("s")
        r0 = sid * _RPS
        pltpu.sync_copy(zf_r.at[pl.ds(r0, _RPS)], agg_sh.at[pl.ds(r0, _RPS)])
        plsc.subcore_barrier()

        if esplit:
            nblocks = 1
            cbase = (cid * _NSUB + sid) * _CPW
        else:
            nblocks = 2
            cbase = sid * _CPS

        def step(i, carry):
            if esplit:
                pltpu.async_copy(hlo_r.at[idxb.at[i, 0]], rows, sem).wait()
            else:
                @pl.when(cid == 0)
                def _():
                    pltpu.async_copy(hlo_r.at[idxb.at[i, 0]], rows,
                                     sem).wait()

                @pl.when(cid == 1)
                def _():
                    pltpu.async_copy(hhi_r.at[idxb.at[i, 0]], rows,
                                     sem).wait()

            pltpu.sync_copy(rows, agg_sh.at[idxb.at[i, 1]], add=True)
            return carry

        for blk in range(nblocks):
            pltpu.sync_copy(e_r.at[pl.ds(cbase + blk * _CPW, _CPW)], idxb)
            lax.fori_loop(0, _CPW, step, 0)
        plsc.subcore_barrier()

        @pl.when(cid == 0)
        def _():
            pltpu.sync_copy(agg_sh.at[pl.ds(r0, _RPS)],
                            alo_r.at[pl.ds(r0, _RPS)])

        @pl.when(cid == 1)
        def _():
            pltpu.sync_copy(agg_sh.at[pl.ds(r0, _RPS)],
                            ahi_r.at[pl.ds(r0, _RPS)])

    return k


def _make_cnt():
    out_type = [
        jax.ShapeDtypeStruct((_NPAD, 128), jnp.float32),
        jax.ShapeDtypeStruct((_NPAD, 128), jnp.float32),
    ]
    scratch = [
        pltpu.VMEM((_CHUNK,), jnp.int32),
        pltpu.VMEM((_CHUNK, 128), jnp.float32),
        pltpu.VMEM_SHARED((_NPAD, 128), jnp.float32),
    ]

    @functools.partial(
        pl.kernel, mesh=_mesh(), out_type=out_type, scratch_types=scratch
    )
    def k(dst_r, zf_r, ones_r, c0_r, c1_r, didx, ones_v, cnt_sh):
        cid = lax.axis_index("c")
        sid = lax.axis_index("s")
        r0 = sid * _RPS
        pltpu.sync_copy(zf_r.at[pl.ds(r0, _RPS)], cnt_sh.at[pl.ds(r0, _RPS)])
        pltpu.sync_copy(ones_r, ones_v)
        plsc.subcore_barrier()

        cbase = (cid * _NSUB + sid) * _CPW

        def step(i, carry):
            base = pl.multiple_of((cbase + i) * _CHUNK, _CHUNK)
            pltpu.sync_copy(dst_r.at[pl.ds(base, _CHUNK)], didx)
            pltpu.sync_copy(ones_v, cnt_sh.at[didx], add=True)
            return carry

        lax.fori_loop(0, _CPW, step, 0)
        plsc.subcore_barrier()

        @pl.when(cid == 0)
        def _():
            pltpu.sync_copy(cnt_sh.at[pl.ds(r0, _RPS)],
                            c0_r.at[pl.ds(r0, _RPS)])

        @pl.when(cid == 1)
        def _():
            pltpu.sync_copy(cnt_sh.at[pl.ds(r0, _RPS)],
                            c1_r.at[pl.ds(r0, _RPS)])

    return k


_agg_l0 = _make_agg(esplit=True)
_agg128 = _make_agg(esplit=False)
_cnt_kernel = _make_cnt()



_BN = 1000


def _full(shape):
    return pl.BlockSpec(shape, lambda i: (0,) * len(shape))


def _rows(shape):
    return pl.BlockSpec(shape, lambda i: (i,) + (0,) * (len(shape) - 1))


def _proj0_kern(x_r, w_r, b_r, h_r):
    h = jnp.dot(x_r[...], w_r[...], preferred_element_type=jnp.float32)
    h_r[...] = jnp.maximum(h + b_r[...], 0.0)


def _proj0(x, pw, pb):
    return pl.pallas_call(
        _proj0_kern,
        grid=(_N // _BN,),
        in_specs=[_rows((_BN, 128)), _full((128, 128)), _full((1, 128))],
        out_specs=_rows((_BN, 128)),
        out_shape=jax.ShapeDtypeStruct((_N, 128), jnp.float32),
    )(x, pw, pb.reshape(1, -1))


def _comb_kern(split, alo_r, ahi_r, c0_r, c1_r, xp_r, lw_r, lb_r, rw_r,
               pw_r, pb_r, xo_r, lo_r, hi_r):
    cnt = jnp.maximum(c0_r[:, :1] + c1_r[:, :1], 1.0)
    inv = 1.0 / cnt
    lw = lw_r[...]
    if split:
        out = jnp.dot(alo_r[...] * inv, lw[:128],
                      preferred_element_type=jnp.float32)
        out += jnp.dot(ahi_r[...] * inv, lw[128:],
                       preferred_element_type=jnp.float32)
    else:
        out = jnp.dot((alo_r[...] + ahi_r[...]) * inv, lw,
                      preferred_element_type=jnp.float32)
    out += jnp.dot(xp_r[...], rw_r[...], preferred_element_type=jnp.float32)
    out += lb_r[...]
    nrm = jnp.sqrt(jnp.sum(out * out, axis=1, keepdims=True))
    out = out / jnp.maximum(nrm, 1e-12)
    x1 = out * jax.nn.sigmoid(out)
    xo_r[...] = x1
    h = jnp.dot(x1, pw_r[...], preferred_element_type=jnp.float32)
    h = jnp.maximum(h + pb_r[...], 0.0)
    lo_r[...] = h[:, :128]
    hi_r[...] = h[:, 128:]


def _combine(split, ic, alo, ahi, c0, c1, xp, lw, lb, rw, pw, pb):
    return pl.pallas_call(
        functools.partial(_comb_kern, split),
        grid=(_N // _BN,),
        in_specs=[
            _rows((_BN, 128)), _rows((_BN, 128)),
            _rows((_BN, 16)), _rows((_BN, 16)),
            _rows((_BN, ic)), _full((ic, 256)), _full((1, 256)),
            _full((ic, 256)), _full((256, 256)), _full((1, 256)),
        ],
        out_specs=[_rows((_BN, 256)), _rows((_BN, 128)), _rows((_BN, 128))],
        out_shape=[
            jax.ShapeDtypeStruct((_N, 256), jnp.float32),
            jax.ShapeDtypeStruct((_N, 128), jnp.float32),
            jax.ShapeDtypeStruct((_N, 128), jnp.float32),
        ],
    )(alo, ahi, c0, c1, xp, lw, lb.reshape(1, -1), rw, pw, pb.reshape(1, -1))


def _final_kern(alo_r, ahi_r, c0_r, c1_r, xp_r, lw_r, lb_r, rw_r,
                g_r, bt_r, o_r):
    cnt = jnp.maximum(c0_r[:, :1] + c1_r[:, :1], 1.0)
    inv = 1.0 / cnt
    lw = lw_r[...]
    out = jnp.dot(alo_r[...] * inv, lw[:128],
                  preferred_element_type=jnp.float32)
    out += jnp.dot(ahi_r[...] * inv, lw[128:],
                   preferred_element_type=jnp.float32)
    out += jnp.dot(xp_r[...], rw_r[...], preferred_element_type=jnp.float32)
    out += lb_r[...]
    nrm = jnp.sqrt(jnp.sum(out * out, axis=1, keepdims=True))
    h = out / jnp.maximum(nrm, 1e-12)
    mu = jnp.mean(h, axis=1, keepdims=True)
    d = h - mu
    var = jnp.mean(d * d, axis=1, keepdims=True)
    o_r[...] = d / jnp.sqrt(var + 1e-5) * g_r[...] + bt_r[...]


def _final(alo, ahi, c0, c1, xp, lw, lb, rw, g, b):
    return pl.pallas_call(
        _final_kern,
        grid=(_N // _BN,),
        in_specs=[
            _rows((_BN, 128)), _rows((_BN, 128)),
            _rows((_BN, 16)), _rows((_BN, 16)),
            _rows((_BN, 256)), _full((256, 256)), _full((1, 256)),
            _full((256, 256)), _full((1, 256)), _full((1, 256)),
        ],
        out_specs=_rows((_BN, 256)),
        out_shape=jax.ShapeDtypeStruct((_N, 256), jnp.float32),
    )(alo, ahi, c0, c1, xp, lw, lb.reshape(1, -1), rw,
      g.reshape(1, -1), b.reshape(1, -1))


def kernel(x, edge_index, proj_W0, proj_b0, linl_W0, linl_b0, linr_W0,
           proj_W1, proj_b1, linl_W1, linl_b1, linr_W1,
           proj_W2, proj_b2, linl_W2, linl_b2, linr_W2,
           ln_gamma, ln_beta):
    src = edge_index[0]
    dst = edge_index[1]
    pad = _EPAD - _E
    src_p = jnp.concatenate([src, jnp.zeros((pad,), jnp.int32)])
    dst_p = jnp.concatenate([dst, jnp.full((pad,), _N, jnp.int32)])
    e_p = jnp.stack([src_p.reshape(-1, _CHUNK),
                     dst_p.reshape(-1, _CHUNK)], axis=1)
    z128 = jnp.zeros((_NPAD, 128), jnp.float32)
    ones128 = jnp.ones((_CHUNK, 128), jnp.float32)

    c0f, c1f = _cnt_kernel(dst_p, z128, ones128)
    c0 = c0f[:_N, :16]
    c1 = c1f[:_N, :16]
    h0 = _proj0(x, proj_W0, proj_b0)
    alo, ahi = _agg_l0(e_p, h0, h0, z128)
    x1, h_lo, h_hi = _combine(False, 128, alo[:_N], ahi[:_N], c0, c1, x,
                              linl_W0, linl_b0, linr_W0, proj_W1, proj_b1)
    alo, ahi = _agg128(e_p, h_lo, h_hi, z128)
    x2, h_lo, h_hi = _combine(True, 256, alo[:_N], ahi[:_N], c0, c1, x1,
                              linl_W1, linl_b1, linr_W1, proj_W2, proj_b2)
    alo, ahi = _agg128(e_p, h_lo, h_hi, z128)
    return _final(alo[:_N], ahi[:_N], c0, c1, x2,
                  linl_W2, linl_b2, linr_W2, ln_gamma, ln_beta)

# --- scband reference (transcript-rebuilt; emitter-appended) ---
"""Pipeline reference for scband-graph-conv-encoder-86870008529644 (READ-ONLY COPY).

The authoritative reference and input builder live on the scoring server;
editing this copy changes nothing except your own understanding.
"""

import jax, jax.numpy as jnp
import numpy as np

N = 10000
E = 320000
DIMS = [128, 256, 256, 256]


def setup_inputs(seed: int = 0):
    key = jax.random.key(seed)
    ks = jax.random.split(key, 20)
    inp = {}
    inp["x"] = jax.random.normal(ks[0], (N, DIMS[0]), dtype=jnp.float32)
    inp["edge_index"] = jax.random.randint(ks[1], (2, E), 0, N, dtype=jnp.int32)
    k = 2
    for l in range(3):
        ic, oc = DIMS[l], DIMS[l + 1]
        inp[f"proj_W{l}"] = jax.random.normal(ks[k], (ic, ic), dtype=jnp.float32) / np.sqrt(ic); k += 1
        inp[f"proj_b{l}"] = jnp.zeros((ic,), dtype=jnp.float32)
        inp[f"linl_W{l}"] = jax.random.normal(ks[k], (ic, oc), dtype=jnp.float32) / np.sqrt(ic); k += 1
        inp[f"linl_b{l}"] = jnp.zeros((oc,), dtype=jnp.float32)
        inp[f"linr_W{l}"] = jax.random.normal(ks[k], (ic, oc), dtype=jnp.float32) / np.sqrt(ic); k += 1
    inp["ln_gamma"] = jnp.ones((DIMS[-1],), dtype=jnp.float32)
    inp["ln_beta"] = jnp.zeros((DIMS[-1],), dtype=jnp.float32)
    return inp


def _sage(x, src, dst, pW, pb, lW, lb, rW):
    # PyG SAGEConv with project=True, normalize=True, mean aggregation
    h = jax.nn.relu(x @ pW + pb)                    # project source features
    msg = jnp.take(h, src, axis=0)                  # gather messages x_j
    agg = jax.ops.segment_sum(msg, dst, num_segments=N)
    cnt = jax.ops.segment_sum(jnp.ones((src.shape[0], 1), dtype=x.dtype), dst, num_segments=N)
    mean = agg / jnp.maximum(cnt, 1.0)              # mean aggregation
    out = mean @ lW + lb + x @ rW                   # lin_l(aggr) + lin_r(root)
    nrm = jnp.maximum(jnp.linalg.norm(out, axis=-1, keepdims=True), 1e-12)
    return out / nrm                                # F.normalize(out, p=2, dim=-1)


def reference(x, edge_index, proj_W0, proj_b0, linl_W0, linl_b0, linr_W0,
              proj_W1, proj_b1, linl_W1, linl_b1, linr_W1,
              proj_W2, proj_b2, linl_W2, linl_b2, linr_W2,
              ln_gamma, ln_beta):
    src, dst = edge_index[0], edge_index[1]
    h = _sage(x, src, dst, proj_W0, proj_b0, linl_W0, linl_b0, linr_W0)
    h = h * jax.nn.sigmoid(h)  # SiLU
    h = _sage(h, src, dst, proj_W1, proj_b1, linl_W1, linl_b1, linr_W1)
    h = h * jax.nn.sigmoid(h)  # SiLU
    h = _sage(h, src, dst, proj_W2, proj_b2, linl_W2, linl_b2, linr_W2)
    mu = jnp.mean(h, axis=-1, keepdims=True)
    var = jnp.var(h, axis=-1, keepdims=True)
    h = (h - mu) / jnp.sqrt(var + 1e-5) * ln_gamma + ln_beta  # LayerNorm
    return h

if __name__ == "__main__":
    import jax
    _d = setup_inputs()
    print(jax.jit(kernel)(*tuple(_d.values())))

</pallas_src>

<mosaic_0001>
#map = affine_map<(d0, d1) -> (0)>
#map1 = affine_map<(d0, d1) -> (0, 0)>
module attributes {stable_mosaic.version = 14 : i64} {
  func.func @k(%arg0: i32, %arg1: i32, %arg2: memref<323584xi32, #tpu.memory_space<hbm>>, %arg3: memref<10112x128xf32, #tpu.memory_space<hbm>>, %arg4: memref<128x128xf32, #tpu.memory_space<hbm>>, %arg5: memref<10112x128xf32, #tpu.memory_space<hbm>>, %arg6: memref<10112x128xf32, #tpu.memory_space<hbm>>, %arg7: memref<128xi32, #tpu.memory_space<vmem>>, %arg8: memref<128x128xf32, #tpu.memory_space<vmem>>, %arg9: memref<10112x128xf32, #tpu.memory_space<vmem_shared>>) attributes {dimension_semantics = [#tpu.dimension_semantics<core_parallel>, #tpu.dimension_semantics<subcore_parallel>], iteration_bounds = array<i64: 2, 16>, scalar_prefetch = 0 : i64, scratch_operands = 3 : i64, tpu.core_type = #tpu.core_type<sc_vector_subcore>, window_params = [{transform_indices = #map}, {transform_indices = #map1}, {transform_indices = #map1}, {transform_indices = #map1}, {transform_indices = #map1}]} {
    %mul3A = arith.constant 632 : i32
    %mul3A_0 = arith.muli %arg1, %mul3A : i32
    "tpu.region"() ({
      %run_scoped3A = tpu.sem_alloc : memref<!tpu.dma_semaphore, #tpu.memory_space<semaphore_mem>>
      %dma_start3A = arith.constant 0 : i32
      %dma_start3A_18 = tpu.memref_slice %arg9[%mul3A_0, %dma_start3A] : memref<10112x128xf32, #tpu.memory_space<vmem_shared>> -> memref<632x128xf32, #tpu.memory_space<vmem_shared>>
      %dma_start3A_19 = arith.constant 0 : i32
      %dma_start3A_20 = tpu.memref_slice %arg3[%mul3A_0, %dma_start3A_19] : memref<10112x128xf32, #tpu.memory_space<hbm>> -> memref<632x128xf32, #tpu.memory_space<hbm>>
      tpu.enqueue_dma source(%dma_start3A_20 : memref<632x128xf32, #tpu.memory_space<hbm>>) target(%dma_start3A_18 : memref<632x128xf32, #tpu.memory_space<vmem_shared>>) target_semaphore(%run_scoped3A : memref<!tpu.dma_semaphore, #tpu.memory_space<semaphore_mem>>)
      %dma_wait3A = arith.constant 0 : i32
      %dma_wait3A_21 = tpu.memref_slice %arg9[%mul3A_0, %dma_wait3A] : memref<10112x128xf32, #tpu.memory_space<vmem_shared>> -> memref<632x128xf32, #tpu.memory_space<vmem_shared>>
      %dma_wait3A_22 = arith.constant 0 : i32
      %dma_wait3A_23 = tpu.memref_slice %arg3[%mul3A_0, %dma_wait3A_22] : memref<10112x128xf32, #tpu.memory_space<hbm>> -> memref<632x128xf32, #tpu.memory_space<hbm>>
      tpu.wait_dma2 semaphore(%run_scoped3A : memref<!tpu.dma_semaphore, #tpu.memory_space<semaphore_mem>>) src(%dma_wait3A_23 : memref<632x128xf32, #tpu.memory_space<hbm>>) dst(%dma_wait3A_21 : memref<632x128xf32, #tpu.memory_space<vmem_shared>>)
      tpu.yield
    }) : () -> ()
    "tpu.region"() ({
      %run_scoped3A = tpu.sem_alloc : memref<!tpu.dma_semaphore, #tpu.memory_space<semaphore_mem>>
      tpu.enqueue_dma source(%arg4 : memref<128x128xf32, #tpu.memory_space<hbm>>) target(%arg8 : memref<128x128xf32, #tpu.memory_space<vmem>>) target_semaphore(%run_scoped3A : memref<!tpu.dma_semaphore, #tpu.memory_space<semaphore_mem>>)
      tpu.wait_dma2 semaphore(%run_scoped3A : memref<!tpu.dma_semaphore, #tpu.memory_space<semaphore_mem>>) src(%arg4 : memref<128x128xf32, #tpu.memory_space<hbm>>) dst(%arg8 : memref<128x128xf32, #tpu.memory_space<vmem>>)
      tpu.yield
    }) : () -> ()
    %barrier3A = arith.constant 0 : index
    tpu.barrier barrier_id(%barrier3A)
    %mul3A_1 = arith.constant 16 : i32
    %mul3A_2 = arith.muli %arg0, %mul3A_1 : i32
    %add3A = arith.addi %mul3A_2, %arg1 : i32
    %mul3A_3 = arith.constant 79 : i32
    %mul3A_4 = arith.muli %add3A, %mul3A_3 : i32
    %scan3A = arith.constant 0 : i32
    %scan3A_5 = arith.constant 0 : i32
    %scan3A_6 = arith.constant 79 : i32
    %scan3A_7 = arith.addi %scan3A_5, %scan3A_6 : i32
    %scan3A_8 = arith.constant 1 : i32
    scf.for %scan3A_18 = %scan3A_5 to %scan3A_7 step %scan3A_8  : i32 {
      %add3A_19 = arith.addi %mul3A_4, %scan3A_18 : i32
      %mul3A_20 = arith.constant 128 : i32
      %mul3A_21 = arith.muli %add3A_19, %mul3A_20 : i32
      %multiple_of3A = tpu.assume_multiple %mul3A_21, 128 : i32
      "tpu.region"() ({
        %run_scoped3A = tpu.sem_alloc : memref<!tpu.dma_semaphore, #tpu.memory_space<semaphore_mem>>
        %dma_start3A = tpu.memref_slice %arg2[%multiple_of3A] : memref<323584xi32, #tpu.memory_space<hbm>> -> memref<128xi32, #tpu.memory_space<hbm>>
        %dma_start3A_22 = tpu.memref_slice %arg2[%multiple_of3A] : memref<323584xi32, #tpu.memory_space<hbm>> -> memref<128xi32, #tpu.memory_space<hbm>>
        tpu.enqueue_dma source(%dma_start3A_22 : memref<128xi32, #tpu.memory_space<hbm>>) target(%arg7 : memref<128xi32, #tpu.memory_space<vmem>>) target_semaphore(%run_scoped3A : memref<!tpu.dma_semaphore, #tpu.memory_space<semaphore_mem>>)
        %dma_wait3A = tpu.memref_slice %arg2[%multiple_of3A] : memref<323584xi32, #tpu.memory_space<hbm>> -> memref<128xi32, #tpu.memory_space<hbm>>
        %dma_wait3A_23 = tpu.memref_slice %arg2[%multiple_of3A] : memref<323584xi32, #tpu.memory_space<hbm>> -> memref<128xi32, #tpu.memory_space<hbm>>
        tpu.wait_dma2 semaphore(%run_scoped3A : memref<!tpu.dma_semaphore, #tpu.memory_space<semaphore_mem>>) src(%dma_wait3A_23 : memref<128xi32, #tpu.memory_space<hbm>>) dst(%arg7 : memref<128xi32, #tpu.memory_space<vmem>>)
        tpu.yield
      }) : () -> ()
      "tpu.region"() ({
        %run_scoped3A = tpu.sem_alloc : memref<!tpu.dma_semaphore, #tpu.memory_space<semaphore_mem>>
        %dma_start3A = arith.constant 0 : i32
        %dma_start3A_22 = arith.constant 0 : i32
        %dma_start3A_23 = tpu.memref_slice %arg9[%dma_start3A, %dma_start3A_22] : memref<10112x128xf32, #tpu.memory_space<vmem_shared>> -> memref<10112x128xf32, #tpu.memory_space<vmem_shared>>
        tpu.enqueue_indirect_dma source(%arg8 : memref<128x128xf32, #tpu.memory_space<vmem>>) target(%dma_start3A_23 : memref<10112x128xf32, #tpu.memory_space<vmem_shared>>) offsets(%arg7 : memref<128xi32, #tpu.memory_space<vmem>>) semaphore(%run_scoped3A : memref<!tpu.dma_semaphore, #tpu.memory_space<semaphore_mem>>) {add = true}
        %dma_wait3A = arith.constant 0 : i32
        %dma_wait3A_24 = arith.constant 0 : i32
        %dma_wait3A_25 = tpu.memref_slice %arg9[%dma_wait3A, %dma_wait3A_24] : memref<10112x128xf32, #tpu.memory_space<vmem_shared>> -> memref<10112x128xf32, #tpu.memory_space<vmem_shared>>
        tpu.wait_indirect_dma semaphore(%run_scoped3A : memref<!tpu.dma_semaphore, #tpu.memory_space<semaphore_mem>>) src(%arg8 : memref<128x128xf32, #tpu.memory_space<vmem>>) dst(%dma_wait3A_25 : memref<10112x128xf32, #tpu.memory_space<vmem_shared>>)
        tpu.yield
      }) : () -> ()
    }
    %scan3A_9 = arith.constant 79 : i32
    %barrier3A_10 = arith.constant 0 : index
    tpu.barrier barrier_id(%barrier3A_10)
    %eq3A = arith.constant 0 : i32
    %eq3A_11 = arith.cmpi eq, %arg0, %eq3A : i32
    %convert_element_type3A = arith.extui %eq3A_11 : i1 to i32
    %cond3A = arith.constant 0 : i32
    %cond3A_12 = arith.cmpi ne, %convert_element_type3A, %cond3A : i32
    scf.if %cond3A_12 {
      "tpu.region"() ({
        %run_scoped3A = tpu.sem_alloc : memref<!tpu.dma_semaphore, #tpu.memory_space<semaphore_mem>>
        %dma_start3A = arith.constant 0 : i32
        %dma_start3A_18 = tpu.memref_slice %arg5[%mul3A_0, %dma_start3A] : memref<10112x128xf32, #tpu.memory_space<hbm>> -> memref<632x128xf32, #tpu.memory_space<hbm>>
        %dma_start3A_19 = arith.constant 0 : i32
        %dma_start3A_20 = tpu.memref_slice %arg9[%mul3A_0, %dma_start3A_19] : memref<10112x128xf32, #tpu.memory_space<vmem_shared>> -> memref<632x128xf32, #tpu.memory_space<vmem_shared>>
        tpu.enqueue_dma source(%dma_start3A_20 : memref<632x128xf32, #tpu.memory_space<vmem_shared>>) target(%dma_start3A_18 : memref<632x128xf32, #tpu.memory_space<hbm>>) target_semaphore(%run_scoped3A : memref<!tpu.dma_semaphore, #tpu.memory_space<semaphore_mem>>)
        %dma_wait3A = arith.constant 0 : i32
        %dma_wait3A_21 = tpu.memref_slice %arg5[%mul3A_0, %dma_wait3A] : memref<10112x128xf32, #tpu.memory_space<hbm>> -> memref<632x128xf32, #tpu.memory_space<hbm>>
        %dma_wait3A_22 = arith.constant 0 : i32
        %dma_wait3A_23 = tpu.memref_slice %arg9[%mul3A_0, %dma_wait3A_22] : memref<10112x128xf32, #tpu.memory_space<vmem_shared>> -> memref<632x128xf32, #tpu.memory_space<vmem_shared>>
        tpu.wait_dma2 semaphore(%run_scoped3A : memref<!tpu.dma_semaphore, #tpu.memory_space<semaphore_mem>>) src(%dma_wait3A_23 : memref<632x128xf32, #tpu.memory_space<vmem_shared>>) dst(%dma_wait3A_21 : memref<632x128xf32, #tpu.memory_space<hbm>>)
        tpu.yield
      }) : () -> ()
    } else {
    }
    %eq3A_13 = arith.constant 1 : i32
    %eq3A_14 = arith.cmpi eq, %arg0, %eq3A_13 : i32
    %convert_element_type3A_15 = arith.extui %eq3A_14 : i1 to i32
    %cond3A_16 = arith.constant 0 : i32
    %cond3A_17 = arith.cmpi ne, %convert_element_type3A_15, %cond3A_16 : i32
    scf.if %cond3A_17 {
      "tpu.region"() ({
        %run_scoped3A = tpu.sem_alloc : memref<!tpu.dma_semaphore, #tpu.memory_space<semaphore_mem>>
        %dma_start3A = arith.constant 0 : i32
        %dma_start3A_18 = tpu.memref_slice %arg6[%mul3A_0, %dma_start3A] : memref<10112x128xf32, #tpu.memory_space<hbm>> -> memref<632x128xf32, #tpu.memory_space<hbm>>
        %dma_start3A_19 = arith.constant 0 : i32
        %dma_start3A_20 = tpu.memref_slice %arg9[%mul3A_0, %dma_start3A_19] : memref<10112x128xf32, #tpu.memory_space<vmem_shared>> -> memref<632x128xf32, #tpu.memory_space<vmem_shared>>
        tpu.enqueue_dma source(%dma_start3A_20 : memref<632x128xf32, #tpu.memory_space<vmem_shared>>) target(%dma_start3A_18 : memref<632x128xf32, #tpu.memory_space<hbm>>) target_semaphore(%run_scoped3A : memref<!tpu.dma_semaphore, #tpu.memory_space<semaphore_mem>>)
        %dma_wait3A = arith.constant 0 : i32
        %dma_wait3A_21 = tpu.memref_slice %arg6[%mul3A_0, %dma_wait3A] : memref<10112x128xf32, #tpu.memory_space<hbm>> -> memref<632x128xf32, #tpu.memory_space<hbm>>
        %dma_wait3A_22 = arith.constant 0 : i32
        %dma_wait3A_23 = tpu.memref_slice %arg9[%mul3A_0, %dma_wait3A_22] : memref<10112x128xf32, #tpu.memory_space<vmem_shared>> -> memref<632x128xf32, #tpu.memory_space<vmem_shared>>
        tpu.wait_dma2 semaphore(%run_scoped3A : memref<!tpu.dma_semaphore, #tpu.memory_space<semaphore_mem>>) src(%dma_wait3A_23 : memref<632x128xf32, #tpu.memory_space<vmem_shared>>) dst(%dma_wait3A_21 : memref<632x128xf32, #tpu.memory_space<hbm>>)
        tpu.yield
      }) : () -> ()
    } else {
    }
    return
  }
}

#map = affine_map<(d0, d1) -> (0, 0, 0)>
#map1 = affine_map<(d0, d1) -> (0, 0)>
module attributes {stable_mosaic.version = 14 : i64} {
  func.func @k(%arg0: i32, %arg1: i32, %arg2: memref<2528x2x128xi32, #tpu.memory_space<hbm>>, %arg3: memref<10000x128xf32, #tpu.memory_space<hbm>>, %arg4: memref<10000x128xf32, #tpu.memory_space<hbm>>, %arg5: memref<10112x128xf32, #tpu.memory_space<hbm>>, %arg6: memref<10112x128xf32, #tpu.memory_space<hbm>>, %arg7: memref<10112x128xf32, #tpu.memory_space<hbm>>, %arg8: memref<79x2x128xi32, #tpu.memory_space<vmem>>, %arg9: memref<128x128xf32, #tpu.memory_space<vmem>>, %arg10: memref<10112x128xf32, #tpu.memory_space<vmem_shared>>, %arg11: memref<!tpu.dma_semaphore, #tpu.memory_space<semaphore_mem>>) attributes {dimension_semantics = [#tpu.dimension_semantics<core_parallel>, #tpu.dimension_semantics<subcore_parallel>], iteration_bounds = array<i64: 2, 16>, scalar_prefetch = 0 : i64, scratch_operands = 4 : i64, tpu.core_type = #tpu.core_type<sc_vector_subcore>, window_params = [{transform_indices = #map}, {transform_indices = #map1}, {transform_indices = #map1}, {transform_indices = #map1}, {transform_indices = #map1}, {transform_indices = #map1}]} {
    %mul3A = arith.constant 632 : i32
    %mul3A_0 = arith.muli %arg1, %mul3A : i32
    "tpu.region"() ({
      %run_scoped3A = tpu.sem_alloc : memref<!tpu.dma_semaphore, #tpu.memory_space<semaphore_mem>>
      %dma_start3A = arith.constant 0 : i32
      %dma_start3A_25 = tpu.memref_slice %arg10[%mul3A_0, %dma_start3A] : memref<10112x128xf32, #tpu.memory_space<vmem_shared>> -> memref<632x128xf32, #tpu.memory_space<vmem_shared>>
      %dma_start3A_26 = arith.constant 0 : i32
      %dma_start3A_27 = tpu.memref_slice %arg5[%mul3A_0, %dma_start3A_26] : memref<10112x128xf32, #tpu.memory_space<hbm>> -> memref<632x128xf32, #tpu.memory_space<hbm>>
      tpu.enqueue_dma source(%dma_start3A_27 : memref<632x128xf32, #tpu.memory_space<hbm>>) target(%dma_start3A_25 : memref<632x128xf32, #tpu.memory_space<vmem_shared>>) target_semaphore(%run_scoped3A : memref<!tpu.dma_semaphore, #tpu.memory_space<semaphore_mem>>)
      %dma_wait3A = arith.constant 0 : i32
      %dma_wait3A_28 = tpu.memref_slice %arg10[%mul3A_0, %dma_wait3A] : memref<10112x128xf32, #tpu.memory_space<vmem_shared>> -> memref<632x128xf32, #tpu.memory_space<vmem_shared>>
      %dma_wait3A_29 = arith.constant 0 : i32
      %dma_wait3A_30 = tpu.memref_slice %arg5[%mul3A_0, %dma_wait3A_29] : memref<10112x128xf32, #tpu.memory_space<hbm>> -> memref<632x128xf32, #tpu.memory_space<hbm>>
      tpu.wait_dma2 semaphore(%run_scoped3A : memref<!tpu.dma_semaphore, #tpu.memory_space<semaphore_mem>>) src(%dma_wait3A_30 : memref<632x128xf32, #tpu.memory_space<hbm>>) dst(%dma_wait3A_28 : memref<632x128xf32, #tpu.memory_space<vmem_shared>>)
      tpu.yield
    }) : () -> ()
    %barrier3A = arith.constant 0 : index
    tpu.barrier barrier_id(%barrier3A)
    %mul3A_1 = arith.constant 158 : i32
    %mul3A_2 = arith.muli %arg1, %mul3A_1 : i32
    %add3A = arith.constant 0 : i32
    %add3A_3 = arith.addi %mul3A_2, %add3A : i32
    "tpu.region"() ({
      %run_scoped3A = tpu.sem_alloc : memref<!tpu.dma_semaphore, #tpu.memory_space<semaphore_mem>>
      %dma_start3A = arith.constant 0 : i32
      %dma_start3A_25 = arith.constant 0 : i32
      %dma_start3A_26 = tpu.memref_slice %arg2[%add3A_3, %dma_start3A, %dma_start3A_25] : memref<2528x2x128xi32, #tpu.memory_space<hbm>> -> memref<79x2x128xi32, #tpu.memory_space<hbm>>
      %dma_start3A_27 = arith.constant 0 : i32
      %dma_start3A_28 = arith.constant 0 : i32
      %dma_start3A_29 = tpu.memref_slice %arg2[%add3A_3, %dma_start3A_27, %dma_start3A_28] : memref<2528x2x128xi32, #tpu.memory_space<hbm>> -> memref<79x2x128xi32, #tpu.memory_space<hbm>>
      tpu.enqueue_dma source(%dma_start3A_29 : memref<79x2x128xi32, #tpu.memory_space<hbm>>) target(%arg8 : memref<79x2x128xi32, #tpu.memory_space<vmem>>) target_semaphore(%run_scoped3A : memref<!tpu.dma_semaphore, #tpu.memory_space<semaphore_mem>>)
      %dma_wait3A = arith.constant 0 : i32
      %dma_wait3A_30 = arith.constant 0 : i32
      %dma_wait3A_31 = tpu.memref_slice %arg2[%add3A_3, %dma_wait3A, %dma_wait3A_30] : memref<2528x2x128xi32, #tpu.memory_space<hbm>> -> memref<79x2x128xi32, #tpu.memory_space<hbm>>
      %dma_wait3A_32 = arith.constant 0 : i32
      %dma_wait3A_33 = arith.constant 0 : i32
      %dma_wait3A_34 = tpu.memref_slice %arg2[%add3A_3, %dma_wait3A_32, %dma_wait3A_33] : memref<2528x2x128xi32, #tpu.memory_space<hbm>> -> memref<79x2x128xi32, #tpu.memory_space<hbm>>
      tpu.wait_dma2 semaphore(%run_scoped3A : memref<!tpu.dma_semaphore, #tpu.memory_space<semaphore_mem>>) src(%dma_wait3A_34 : memref<79x2x128xi32, #tpu.memory_space<hbm>>) dst(%arg8 : memref<79x2x128xi32, #tpu.memory_space<vmem>>)
      tpu.yield
    }) : () -> ()
    %scan3A = arith.constant 0 : i32
    %scan3A_4 = arith.constant 0 : i32
    %scan3A_5 = arith.constant 79 : i32
    %scan3A_6 = arith.addi %scan3A_4, %scan3A_5 : i32
    %scan3A_7 = arith.constant 1 : i32
    scf.for %scan3A_25 = %scan3A_4 to %scan3A_6 step %scan3A_7  : i32 {
      %eq3A_26 = arith.constant 0 : i32
      %eq3A_27 = arith.cmpi eq, %arg0, %eq3A_26 : i32
      %convert_element_type3A_28 = arith.extui %eq3A_27 : i1 to i32
      %cond3A_29 = arith.constant 0 : i32
      %cond3A_30 = arith.cmpi ne, %convert_element_type3A_28, %cond3A_29 : i32
      scf.if %cond3A_30 {
        %dma_start3A = arith.constant 0 : i32
        %dma_start3A_36 = arith.constant 0 : i32
        %dma_start3A_37 = tpu.memref_slice %arg8[%scan3A_25, %dma_start3A, %dma_start3A_36] : memref<79x2x128xi32, #tpu.memory_space<vmem>> -> memref<1x1x128xi32, #tpu.memory_space<vmem>>
        %dma_start3A_38 = tpu.memref_squeeze %dma_start3A_37 : memref<1x1x128xi32, #tpu.memory_space<vmem>> -> memref<128xi32, #tpu.memory_space<vmem>>
        %dma_start3A_39 = arith.constant 0 : i32
        %dma_start3A_40 = arith.constant 0 : i32
        %dma_start3A_41 = tpu.memref_slice %arg3[%dma_start3A_39, %dma_start3A_40] : memref<10000x128xf32, #tpu.memory_space<hbm>> -> memref<10000x128xf32, #tpu.memory_space<hbm>>
        tpu.enqueue_indirect_dma source(%dma_start3A_41 : memref<10000x128xf32, #tpu.memory_space<hbm>>) target(%arg9 : memref<128x128xf32, #tpu.memory_space<vmem>>) offsets(%dma_start3A_38 : memref<128xi32, #tpu.memory_space<vmem>>) semaphore(%arg11 : memref<!tpu.dma_semaphore, #tpu.memory_space<semaphore_mem>>)
        %dma_wait3A = arith.constant 0 : i32
        %dma_wait3A_42 = arith.constant 0 : i32
        %dma_wait3A_43 = tpu.memref_slice %arg8[%scan3A_25, %dma_wait3A, %dma_wait3A_42] : memref<79x2x128xi32, #tpu.memory_space<vmem>> -> memref<1x1x128xi32, #tpu.memory_space<vmem>>
        %dma_wait3A_44 = tpu.memref_squeeze %dma_wait3A_43 : memref<1x1x128xi32, #tpu.memory_space<vmem>> -> memref<128xi32, #tpu.memory_space<vmem>>
        %dma_wait3A_45 = arith.constant 0 : i32
        %dma_wait3A_46 = arith.constant 0 : i32
        %dma_wait3A_47 = tpu.memref_slice %arg3[%dma_wait3A_45, %dma_wait3A_46] : memref<10000x128xf32, #tpu.memory_space<hbm>> -> memref<10000x128xf32, #tpu.memory_space<hbm>>
        tpu.wait_indirect_dma semaphore(%arg11 : memref<!tpu.dma_semaphore, #tpu.memory_space<semaphore_mem>>) src(%dma_wait3A_47 : memref<10000x128xf32, #tpu.memory_space<hbm>>) dst(%arg9 : memref<128x128xf32, #tpu.memory_space<vmem>>)
      } else {
      }
      %eq3A_31 = arith.constant 1 : i32
      %eq3A_32 = arith.cmpi eq, %arg0, %eq3A_31 : i32
      %convert_element_type3A_33 = arith.extui %eq3A_32 : i1 to i32
      %cond3A_34 = arith.constant 0 : i32
      %cond3A_35 = arith.cmpi ne, %convert_element_type3A_33, %cond3A_34 : i32
      scf.if %cond3A_35 {
        %dma_start3A = arith.constant 0 : i32
        %dma_start3A_36 = arith.constant 0 : i32
        %dma_start3A_37 = tpu.memref_slice %arg8[%scan3A_25, %dma_start3A, %dma_start3A_36] : memref<79x2x128xi32, #tpu.memory_space<vmem>> -> memref<1x1x128xi32, #tpu.memory_space<vmem>>
        %dma_start3A_38 = tpu.memref_squeeze %dma_start3A_37 : memref<1x1x128xi32, #tpu.memory_space<vmem>> -> memref<128xi32, #tpu.memory_space<vmem>>
        %dma_start3A_39 = arith.constant 0 : i32
        %dma_start3A_40 = arith.constant 0 : i32
        %dma_start3A_41 = tpu.memref_slice %arg4[%dma_start3A_39, %dma_start3A_40] : memref<10000x128xf32, #tpu.memory_space<hbm>> -> memref<10000x128xf32, #tpu.memory_space<hbm>>
        tpu.enqueue_indirect_dma source(%dma_start3A_41 : memref<10000x128xf32, #tpu.memory_space<hbm>>) target(%arg9 : memref<128x128xf32, #tpu.memory_space<vmem>>) offsets(%dma_start3A_38 : memref<128xi32, #tpu.memory_space<vmem>>) semaphore(%arg11 : memref<!tpu.dma_semaphore, #tpu.memory_space<semaphore_mem>>)
        %dma_wait3A = arith.constant 0 : i32
        %dma_wait3A_42 = arith.constant 0 : i32
        %dma_wait3A_43 = tpu.memref_slice %arg8[%scan3A_25, %dma_wait3A, %dma_wait3A_42] : memref<79x2x128xi32, #tpu.memory_space<vmem>> -> memref<1x1x128xi32, #tpu.memory_space<vmem>>
        %dma_wait3A_44 = tpu.memref_squeeze %dma_wait3A_43 : memref<1x1x128xi32, #tpu.memory_space<vmem>> -> memref<128xi32, #tpu.memory_space<vmem>>
        %dma_wait3A_45 = arith.constant 0 : i32
        %dma_wait3A_46 = arith.constant 0 : i32
        %dma_wait3A_47 = tpu.memref_slice %arg4[%dma_wait3A_45, %dma_wait3A_46] : memref<10000x128xf32, #tpu.memory_space<hbm>> -> memref<10000x128xf32, #tpu.memory_space<hbm>>
        tpu.wait_indirect_dma semaphore(%arg11 : memref<!tpu.dma_semaphore, #tpu.memory_space<semaphore_mem>>) src(%dma_wait3A_47 : memref<10000x128xf32, #tpu.memory_space<hbm>>) dst(%arg9 : memref<128x128xf32, #tpu.memory_space<vmem>>)
      } else {
      }
      %run_scoped3A = arith.constant 1 : i32
      "tpu.region"() ({
        %run_scoped3A_36 = tpu.sem_alloc : memref<!tpu.dma_semaphore, #tpu.memory_space<semaphore_mem>>
        %dma_start3A = arith.constant 0 : i32
        %dma_start3A_37 = tpu.memref_slice %arg8[%scan3A_25, %run_scoped3A, %dma_start3A] : memref<79x2x128xi32, #tpu.memory_space<vmem>> -> memref<1x1x128xi32, #tpu.memory_space<vmem>>
        %dma_start3A_38 = tpu.memref_squeeze %dma_start3A_37 : memref<1x1x128xi32, #tpu.memory_space<vmem>> -> memref<128xi32, #tpu.memory_space<vmem>>
        %dma_start3A_39 = arith.constant 0 : i32
        %dma_start3A_40 = arith.constant 0 : i32
        %dma_start3A_41 = tpu.memref_slice %arg10[%dma_start3A_39, %dma_start3A_40] : memref<10112x128xf32, #tpu.memory_space<vmem_shared>> -> memref<10112x128xf32, #tpu.memory_space<vmem_shared>>
        tpu.enqueue_indirect_dma source(%arg9 : memref<128x128xf32, #tpu.memory_space<vmem>>) target(%dma_start3A_41 : memref<10112x128xf32, #tpu.memory_space<vmem_shared>>) offsets(%dma_start3A_38 : memref<128xi32, #tpu.memory_space<vmem>>) semaphore(%run_scoped3A_36 : memref<!tpu.dma_semaphore, #tpu.memory_space<semaphore_mem>>) {add = true}
        %dma_wait3A = arith.constant 0 : i32
        %dma_wait3A_42 = tpu.memref_slice %arg8[%scan3A_25, %run_scoped3A, %dma_wait3A] : memref<79x2x128xi32, #tpu.memory_space<vmem>> -> memref<1x1x128xi32, #tpu.memory_space<vmem>>
        %dma_wait3A_43 = tpu.memref_squeeze %dma_wait3A_42 : memref<1x1x128xi32, #tpu.memory_space<vmem>> -> memref<128xi32, #tpu.memory_space<vmem>>
        %dma_wait3A_44 = arith.constant 0 : i32
        %dma_wait3A_45 = arith.constant 0 : i32
        %dma_wait3A_46 = tpu.memref_slice %arg10[%dma_wait3A_44, %dma_wait3A_45] : memref<10112x128xf32, #tpu.memory_space<vmem_shared>> -> memref<10112x128xf32, #tpu.memory_space<vmem_shared>>
        tpu.wait_indirect_dma semaphore(%run_scoped3A_36 : memref<!tpu.dma_semaphore, #tpu.memory_space<semaphore_mem>>) src(%arg9 : memref<128x128xf32, #tpu.memory_space<vmem>>) dst(%dma_wait3A_46 : memref<10112x128xf32, #tpu.memory_space<vmem_shared>>)
        tpu.yield
      }) : () -> ()
    }
    %scan3A_8 = arith.constant 79 : i32
    %add3A_9 = arith.constant 79 : i32
    %add3A_10 = arith.addi %mul3A_2, %add3A_9 : i32
    "tpu.region"() ({
      %run_scoped3A = tpu.sem_alloc : memref<!tpu.dma_semaphore, #tpu.memory_space<semaphore_mem>>
      %dma_start3A = arith.constant 0 : i32
      %dma_start3A_25 = arith.constant 0 : i32
      %dma_start3A_26 = tpu.memref_slice %arg2[%add3A_10, %dma_start3A, %dma_start3A_25] : memref<2528x2x128xi32, #tpu.memory_space<hbm>> -> memref<79x2x128xi32, #tpu.memory_space<hbm>>
      %dma_start3A_27 = arith.constant 0 : i32
      %dma_start3A_28 = arith.constant 0 : i32
      %dma_start3A_29 = tpu.memref_slice %arg2[%add3A_10, %dma_start3A_27, %dma_start3A_28] : memref<2528x2x128xi32, #tpu.memory_space<hbm>> -> memref<79x2x128xi32, #tpu.memory_space<hbm>>
      tpu.enqueue_dma source(%dma_start3A_29 : memref<79x2x128xi32, #tpu.memory_space<hbm>>) target(%arg8 : memref<79x2x128xi32, #tpu.memory_space<vmem>>) target_semaphore(%run_scoped3A : memref<!tpu.dma_semaphore, #tpu.memory_space<semaphore_mem>>)
      %dma_wait3A = arith.constant 0 : i32
      %dma_wait3A_30 = arith.constant 0 : i32
      %dma_wait3A_31 = tpu.memref_slice %arg2[%add3A_10, %dma_wait3A, %dma_wait3A_30] : memref<2528x2x128xi32, #tpu.memory_space<hbm>> -> memref<79x2x128xi32, #tpu.memory_space<hbm>>
      %dma_wait3A_32 = arith.constant 0 : i32
      %dma_wait3A_33 = arith.constant 0 : i32
      %dma_wait3A_34 = tpu.memref_slice %arg2[%add3A_10, %dma_wait3A_32, %dma_wait3A_33] : memref<2528x2x128xi32, #tpu.memory_space<hbm>> -> memref<79x2x128xi32, #tpu.memory_space<hbm>>
      tpu.wait_dma2 semaphore(%run_scoped3A : memref<!tpu.dma_semaphore, #tpu.memory_space<semaphore_mem>>) src(%dma_wait3A_34 : memref<79x2x128xi32, #tpu.memory_space<hbm>>) dst(%arg8 : memref<79x2x128xi32, #tpu.memory_space<vmem>>)
      tpu.yield
    }) : () -> ()
    %scan3A_11 = arith.constant 0 : i32
    %scan3A_12 = arith.constant 0 : i32
    %scan3A_13 = arith.constant 79 : i32
    %scan3A_14 = arith.addi %scan3A_12, %scan3A_13 : i32
    %scan3A_15 = arith.constant 1 : i32
    scf.for %scan3A_25 = %scan3A_12 to %scan3A_14 step %scan3A_15  : i32 {
      %eq3A_26 = arith.constant 0 : i32
      %eq3A_27 = arith.cmpi eq, %arg0, %eq3A_26 : i32
      %convert_element_type3A_28 = arith.extui %eq3A_27 : i1 to i32
      %cond3A_29 = arith.constant 0 : i32
      %cond3A_30 = arith.cmpi ne, %convert_element_type3A_28, %cond3A_29 : i32
      scf.if %cond3A_30 {
        %dma_start3A = arith.constant 0 : i32
        %dma_start3A_36 = arith.constant 0 : i32
        %dma_start3A_37 = tpu.memref_slice %arg8[%scan3A_25, %dma_start3A, %dma_start3A_36] : memref<79x2x128xi32, #tpu.memory_space<vmem>> -> memref<1x1x128xi32, #tpu.memory_space<vmem>>
        %dma_start3A_38 = tpu.memref_squeeze %dma_start3A_37 : memref<1x1x128xi32, #tpu.memory_space<vmem>> -> memref<128xi32, #tpu.memory_space<vmem>>
        %dma_start3A_39 = arith.constant 0 : i32
        %dma_start3A_40 = arith.constant 0 : i32
        %dma_start3A_41 = tpu.memref_slice %arg3[%dma_start3A_39, %dma_start3A_40] : memref<10000x128xf32, #tpu.memory_space<hbm>> -> memref<10000x128xf32, #tpu.memory_space<hbm>>
        tpu.enqueue_indirect_dma source(%dma_start3A_41 : memref<10000x128xf32, #tpu.memory_space<hbm>>) target(%arg9 : memref<128x128xf32, #tpu.memory_space<vmem>>) offsets(%dma_start3A_38 : memref<128xi32, #tpu.memory_space<vmem>>) semaphore(%arg11 : memref<!tpu.dma_semaphore, #tpu.memory_space<semaphore_mem>>)
        %dma_wait3A = arith.constant 0 : i32
        %dma_wait3A_42 = arith.constant 0 : i32
        %dma_wait3A_43 = tpu.memref_slice %arg8[%scan3A_25, %dma_wait3A, %dma_wait3A_42] : memref<79x2x128xi32, #tpu.memory_space<vmem>> -> memref<1x1x128xi32, #tpu.memory_space<vmem>>
        %dma_wait3A_44 = tpu.memref_squeeze %dma_wait3A_43 : memref<1x1x128xi32, #tpu.memory_space<vmem>> -> memref<128xi32, #tpu.memory_space<vmem>>
        %dma_wait3A_45 = arith.constant 0 : i32
        %dma_wait3A_46 = arith.constant 0 : i32
        %dma_wait3A_47 = tpu.memref_slice %arg3[%dma_wait3A_45, %dma_wait3A_46] : memref<10000x128xf32, #tpu.memory_space<hbm>> -> memref<10000x128xf32, #tpu.memory_space<hbm>>
        tpu.wait_indirect_dma semaphore(%arg11 : memref<!tpu.dma_semaphore, #tpu.memory_space<semaphore_mem>>) src(%dma_wait3A_47 : memref<10000x128xf32, #tpu.memory_space<hbm>>) dst(%arg9 : memref<128x128xf32, #tpu.memory_space<vmem>>)
      } else {
      }
      %eq3A_31 = arith.constant 1 : i32
      %eq3A_32 = arith.cmpi eq, %arg0, %eq3A_31 : i32
      %convert_element_type3A_33 = arith.extui %eq3A_32 : i1 to i32
      %cond3A_34 = arith.constant 0 : i32
      %cond3A_35 = arith.cmpi ne, %convert_element_type3A_33, %cond3A_34 : i32
      scf.if %cond3A_35 {
        %dma_start3A = arith.constant 0 : i32
        %dma_start3A_36 = arith.constant 0 : i32
        %dma_start3A_37 = tpu.memref_slice %arg8[%scan3A_25, %dma_start3A, %dma_start3A_36] : memref<79x2x128xi32, #tpu.memory_space<vmem>> -> memref<1x1x128xi32, #tpu.memory_space<vmem>>
        %dma_start3A_38 = tpu.memref_squeeze %dma_start3A_37 : memref<1x1x128xi32, #tpu.memory_space<vmem>> -> memref<128xi32, #tpu.memory_space<vmem>>
        %dma_start3A_39 = arith.constant 0 : i32
        %dma_start3A_40 = arith.constant 0 : i32
        %dma_start3A_41 = tpu.memref_slice %arg4[%dma_start3A_39, %dma_start3A_40] : memref<10000x128xf32, #tpu.memory_space<hbm>> -> memref<10000x128xf32, #tpu.memory_space<hbm>>
        tpu.enqueue_indirect_dma source(%dma_start3A_41 : memref<10000x128xf32, #tpu.memory_space<hbm>>) target(%arg9 : memref<128x128xf32, #tpu.memory_space<vmem>>) offsets(%dma_start3A_38 : memref<128xi32, #tpu.memory_space<vmem>>) semaphore(%arg11 : memref<!tpu.dma_semaphore, #tpu.memory_space<semaphore_mem>>)
        %dma_wait3A = arith.constant 0 : i32
        %dma_wait3A_42 = arith.constant 0 : i32
        %dma_wait3A_43 = tpu.memref_slice %arg8[%scan3A_25, %dma_wait3A, %dma_wait3A_42] : memref<79x2x128xi32, #tpu.memory_space<vmem>> -> memref<1x1x128xi32, #tpu.memory_space<vmem>>
        %dma_wait3A_44 = tpu.memref_squeeze %dma_wait3A_43 : memref<1x1x128xi32, #tpu.memory_space<vmem>> -> memref<128xi32, #tpu.memory_space<vmem>>
        %dma_wait3A_45 = arith.constant 0 : i32
        %dma_wait3A_46 = arith.constant 0 : i32
        %dma_wait3A_47 = tpu.memref_slice %arg4[%dma_wait3A_45, %dma_wait3A_46] : memref<10000x128xf32, #tpu.memory_space<hbm>> -> memref<10000x128xf32, #tpu.memory_space<hbm>>
        tpu.wait_indirect_dma semaphore(%arg11 : memref<!tpu.dma_semaphore, #tpu.memory_space<semaphore_mem>>) src(%dma_wait3A_47 : memref<10000x128xf32, #tpu.memory_space<hbm>>) dst(%arg9 : memref<128x128xf32, #tpu.memory_space<vmem>>)
      } else {
      }
      %run_scoped3A = arith.constant 1 : i32
      "tpu.region"() ({
        %run_scoped3A_36 = tpu.sem_alloc : memref<!tpu.dma_semaphore, #tpu.memory_space<semaphore_mem>>
        %dma_start3A = arith.constant 0 : i32
        %dma_start3A_37 = tpu.memref_slice %arg8[%scan3A_25, %run_scoped3A, %dma_start3A] : memref<79x2x128xi32, #tpu.memory_space<vmem>> -> memref<1x1x128xi32, #tpu.memory_space<vmem>>
        %dma_start3A_38 = tpu.memref_squeeze %dma_start3A_37 : memref<1x1x128xi32, #tpu.memory_space<vmem>> -> memref<128xi32, #tpu.memory_space<vmem>>
        %dma_start3A_39 = arith.constant 0 : i32
        %dma_start3A_40 = arith.constant 0 : i32
        %dma_start3A_41 = tpu.memref_slice %arg10[%dma_start3A_39, %dma_start3A_40] : memref<10112x128xf32, #tpu.memory_space<vmem_shared>> -> memref<10112x128xf32, #tpu.memory_space<vmem_shared>>
        tpu.enqueue_indirect_dma source(%arg9 : memref<128x128xf32, #tpu.memory_space<vmem>>) target(%dma_start3A_41 : memref<10112x128xf32, #tpu.memory_space<vmem_shared>>) offsets(%dma_start3A_38 : memref<128xi32, #tpu.memory_space<vmem>>) semaphore(%run_scoped3A_36 : memref<!tpu.dma_semaphore, #tpu.memory_space<semaphore_mem>>) {add = true}
        %dma_wait3A = arith.constant 0 : i32
        %dma_wait3A_42 = tpu.memref_slice %arg8[%scan3A_25, %run_scoped3A, %dma_wait3A] : memref<79x2x128xi32, #tpu.memory_space<vmem>> -> memref<1x1x128xi32, #tpu.memory_space<vmem>>
        %dma_wait3A_43 = tpu.memref_squeeze %dma_wait3A_42 : memref<1x1x128xi32, #tpu.memory_space<vmem>> -> memref<128xi32, #tpu.memory_space<vmem>>
        %dma_wait3A_44 = arith.constant 0 : i32
        %dma_wait3A_45 = arith.constant 0 : i32
        %dma_wait3A_46 = tpu.memref_slice %arg10[%dma_wait3A_44, %dma_wait3A_45] : memref<10112x128xf32, #tpu.memory_space<vmem_shared>> -> memref<10112x128xf32, #tpu.memory_space<vmem_shared>>
        tpu.wait_indirect_dma semaphore(%run_scoped3A_36 : memref<!tpu.dma_semaphore, #tpu.memory_space<semaphore_mem>>) src(%arg9 : memref<128x128xf32, #tpu.memory_space<vmem>>) dst(%dma_wait3A_46 : memref<10112x128xf32, #tpu.memory_space<vmem_shared>>)
        tpu.yield
      }) : () -> ()
    }
    %scan3A_16 = arith.constant 79 : i32
    %barrier3A_17 = arith.constant 0 : index
    tpu.barrier barrier_id(%barrier3A_17)
    %eq3A = arith.constant 0 : i32
    %eq3A_18 = arith.cmpi eq, %arg0, %eq3A : i32
    %convert_element_type3A = arith.extui %eq3A_18 : i1 to i32
    %cond3A = arith.constant 0 : i32
    %cond3A_19 = arith.cmpi ne, %convert_element_type3A, %cond3A : i32
    scf.if %cond3A_19 {
      "tpu.region"() ({
        %run_scoped3A = tpu.sem_alloc : memref<!tpu.dma_semaphore, #tpu.memory_space<semaphore_mem>>
        %dma_start3A = arith.constant 0 : i32
        %dma_start3A_25 = tpu.memref_slice %arg6[%mul3A_0, %dma_start3A] : memref<10112x128xf32, #tpu.memory_space<hbm>> -> memref<632x128xf32, #tpu.memory_space<hbm>>
        %dma_start3A_26 = arith.constant 0 : i32
        %dma_start3A_27 = tpu.memref_slice %arg10[%mul3A_0, %dma_start3A_26] : memref<10112x128xf32, #tpu.memory_space<vmem_shared>> -> memref<632x128xf32, #tpu.memory_space<vmem_shared>>
        tpu.enqueue_dma source(%dma_start3A_27 : memref<632x128xf32, #tpu.memory_space<vmem_shared>>) target(%dma_start3A_25 : memref<632x128xf32, #tpu.memory_space<hbm>>) target_semaphore(%run_scoped3A : memref<!tpu.dma_semaphore, #tpu.memory_space<semaphore_mem>>)
        %dma_wait3A = arith.constant 0 : i32
        %dma_wait3A_28 = tpu.memref_slice %arg6[%mul3A_0, %dma_wait3A] : memref<10112x128xf32, #tpu.memory_space<hbm>> -> memref<632x128xf32, #tpu.memory_space<hbm>>
        %dma_wait3A_29 = arith.constant 0 : i32
        %dma_wait3A_30 = tpu.memref_slice %arg10[%mul3A_0, %dma_wait3A_29] : memref<10112x128xf32, #tpu.memory_space<vmem_shared>> -> memref<632x128xf32, #tpu.memory_space<vmem_shared>>
        tpu.wait_dma2 semaphore(%run_scoped3A : memref<!tpu.dma_semaphore, #tpu.memory_space<semaphore_mem>>) src(%dma_wait3A_30 : memref<632x128xf32, #tpu.memory_space<vmem_shared>>) dst(%dma_wait3A_28 : memref<632x128xf32, #tpu.memory_space<hbm>>)
        tpu.yield
      }) : () -> ()
    } else {
    }
    %eq3A_20 = arith.constant 1 : i32
    %eq3A_21 = arith.cmpi eq, %arg0, %eq3A_20 : i32
    %convert_element_type3A_22 = arith.extui %eq3A_21 : i1 to i32
    %cond3A_23 = arith.constant 0 : i32
    %cond3A_24 = arith.cmpi ne, %convert_element_type3A_22, %cond3A_23 : i32
    scf.if %cond3A_24 {
      "tpu.region"() ({
        %run_scoped3A = tpu.sem_alloc : memref<!tpu.dma_semaphore, #tpu.memory_space<semaphore_mem>>
        %dma_start3A = arith.constant 0 : i32
        %dma_start3A_25 = tpu.memref_slice %arg7[%mul3A_0, %dma_start3A] : memref<10112x128xf32, #tpu.memory_space<hbm>> -> memref<632x128xf32, #tpu.memory_space<hbm>>
        %dma_start3A_26 = arith.constant 0 : i32
        %dma_start3A_27 = tpu.memref_slice %arg10[%mul3A_0, %dma_start3A_26] : memref<10112x128xf32, #tpu.memory_space<vmem_shared>> -> memref<632x128xf32, #tpu.memory_space<vmem_shared>>
        tpu.enqueue_dma source(%dma_start3A_27 : memref<632x128xf32, #tpu.memory_space<vmem_shared>>) target(%dma_start3A_25 : memref<632x128xf32, #tpu.memory_space<hbm>>) target_semaphore(%run_scoped3A : memref<!tpu.dma_semaphore, #tpu.memory_space<semaphore_mem>>)
        %dma_wait3A = arith.constant 0 : i32
        %dma_wait3A_28 = tpu.memref_slice %arg7[%mul3A_0, %dma_wait3A] : memref<10112x128xf32, #tpu.memory_space<hbm>> -> memref<632x128xf32, #tpu.memory_space<hbm>>
        %dma_wait3A_29 = arith.constant 0 : i32
        %dma_wait3A_30 = tpu.memref_slice %arg10[%mul3A_0, %dma_wait3A_29] : memref<10112x128xf32, #tpu.memory_space<vmem_shared>> -> memref<632x128xf32, #tpu.memory_space<vmem_shared>>
        tpu.wait_dma2 semaphore(%run_scoped3A : memref<!tpu.dma_semaphore, #tpu.memory_space<semaphore_mem>>) src(%dma_wait3A_30 : memref<632x128xf32, #tpu.memory_space<vmem_shared>>) dst(%dma_wait3A_28 : memref<632x128xf32, #tpu.memory_space<hbm>>)
        tpu.yield
      }) : () -> ()
    } else {
    }
    return
  }
}

#map = affine_map<(d0, d1) -> (0, 0, 0)>
#map1 = affine_map<(d0, d1) -> (0, 0)>
module attributes {stable_mosaic.version = 14 : i64} {
  func.func @k(%arg0: i32, %arg1: i32, %arg2: memref<2528x2x128xi32, #tpu.memory_space<hbm>>, %arg3: memref<10000x128xf32, #tpu.memory_space<hbm>>, %arg4: memref<10000x128xf32, #tpu.memory_space<hbm>>, %arg5: memref<10112x128xf32, #tpu.memory_space<hbm>>, %arg6: memref<10112x128xf32, #tpu.memory_space<hbm>>, %arg7: memref<10112x128xf32, #tpu.memory_space<hbm>>, %arg8: memref<79x2x128xi32, #tpu.memory_space<vmem>>, %arg9: memref<128x128xf32, #tpu.memory_space<vmem>>, %arg10: memref<10112x128xf32, #tpu.memory_space<vmem_shared>>, %arg11: memref<!tpu.dma_semaphore, #tpu.memory_space<semaphore_mem>>) attributes {dimension_semantics = [#tpu.dimension_semantics<core_parallel>, #tpu.dimension_semantics<subcore_parallel>], iteration_bounds = array<i64: 2, 16>, scalar_prefetch = 0 : i64, scratch_operands = 4 : i64, tpu.core_type = #tpu.core_type<sc_vector_subcore>, window_params = [{transform_indices = #map}, {transform_indices = #map1}, {transform_indices = #map1}, {transform_indices = #map1}, {transform_indices = #map1}, {transform_indices = #map1}]} {
    %mul3A = arith.constant 632 : i32
    %mul3A_0 = arith.muli %arg1, %mul3A : i32
    "tpu.region"() ({
      %run_scoped3A = tpu.sem_alloc : memref<!tpu.dma_semaphore, #tpu.memory_space<semaphore_mem>>
      %dma_start3A = arith.constant 0 : i32
      %dma_start3A_20 = tpu.memref_slice %arg10[%mul3A_0, %dma_start3A] : memref<10112x128xf32, #tpu.memory_space<vmem_shared>> -> memref<632x128xf32, #tpu.memory_space<vmem_shared>>
      %dma_start3A_21 = arith.constant 0 : i32
      %dma_start3A_22 = tpu.memref_slice %arg5[%mul3A_0, %dma_start3A_21] : memref<10112x128xf32, #tpu.memory_space<hbm>> -> memref<632x128xf32, #tpu.memory_space<hbm>>
      tpu.enqueue_dma source(%dma_start3A_22 : memref<632x128xf32, #tpu.memory_space<hbm>>) target(%dma_start3A_20 : memref<632x128xf32, #tpu.memory_space<vmem_shared>>) target_semaphore(%run_scoped3A : memref<!tpu.dma_semaphore, #tpu.memory_space<semaphore_mem>>)
      %dma_wait3A = arith.constant 0 : i32
      %dma_wait3A_23 = tpu.memref_slice %arg10[%mul3A_0, %dma_wait3A] : memref<10112x128xf32, #tpu.memory_space<vmem_shared>> -> memref<632x128xf32, #tpu.memory_space<vmem_shared>>
      %dma_wait3A_24 = arith.constant 0 : i32
      %dma_wait3A_25 = tpu.memref_slice %arg5[%mul3A_0, %dma_wait3A_24] : memref<10112x128xf32, #tpu.memory_space<hbm>> -> memref<632x128xf32, #tpu.memory_space<hbm>>
      tpu.wait_dma2 semaphore(%run_scoped3A : memref<!tpu.dma_semaphore, #tpu.memory_space<semaphore_mem>>) src(%dma_wait3A_25 : memref<632x128xf32, #tpu.memory_space<hbm>>) dst(%dma_wait3A_23 : memref<632x128xf32, #tpu.memory_space<vmem_shared>>)
      tpu.yield
    }) : () -> ()
    %barrier3A = arith.constant 0 : index
    tpu.barrier barrier_id(%barrier3A)
    %mul3A_1 = arith.constant 16 : i32
    %mul3A_2 = arith.muli %arg0, %mul3A_1 : i32
    %add3A = arith.addi %mul3A_2, %arg1 : i32
    %mul3A_3 = arith.constant 79 : i32
    %mul3A_4 = arith.muli %add3A, %mul3A_3 : i32
    %add3A_5 = arith.constant 0 : i32
    %add3A_6 = arith.addi %mul3A_4, %add3A_5 : i32
    "tpu.region"() ({
      %run_scoped3A = tpu.sem_alloc : memref<!tpu.dma_semaphore, #tpu.memory_space<semaphore_mem>>
      %dma_start3A = arith.constant 0 : i32
      %dma_start3A_20 = arith.constant 0 : i32
      %dma_start3A_21 = tpu.memref_slice %arg2[%add3A_6, %dma_start3A, %dma_start3A_20] : memref<2528x2x128xi32, #tpu.memory_space<hbm>> -> memref<79x2x128xi32, #tpu.memory_space<hbm>>
      %dma_start3A_22 = arith.constant 0 : i32
      %dma_start3A_23 = arith.constant 0 : i32
      %dma_start3A_24 = tpu.memref_slice %arg2[%add3A_6, %dma_start3A_22, %dma_start3A_23] : memref<2528x2x128xi32, #tpu.memory_space<hbm>> -> memref<79x2x128xi32, #tpu.memory_space<hbm>>
      tpu.enqueue_dma source(%dma_start3A_24 : memref<79x2x128xi32, #tpu.memory_space<hbm>>) target(%arg8 : memref<79x2x128xi32, #tpu.memory_space<vmem>>) target_semaphore(%run_scoped3A : memref<!tpu.dma_semaphore, #tpu.memory_space<semaphore_mem>>)
      %dma_wait3A = arith.constant 0 : i32
      %dma_wait3A_25 = arith.constant 0 : i32
      %dma_wait3A_26 = tpu.memref_slice %arg2[%add3A_6, %dma_wait3A, %dma_wait3A_25] : memref<2528x2x128xi32, #tpu.memory_space<hbm>> -> memref<79x2x128xi32, #tpu.memory_space<hbm>>
      %dma_wait3A_27 = arith.constant 0 : i32
      %dma_wait3A_28 = arith.constant 0 : i32
      %dma_wait3A_29 = tpu.memref_slice %arg2[%add3A_6, %dma_wait3A_27, %dma_wait3A_28] : memref<2528x2x128xi32, #tpu.memory_space<hbm>> -> memref<79x2x128xi32, #tpu.memory_space<hbm>>
      tpu.wait_dma2 semaphore(%run_scoped3A : memref<!tpu.dma_semaphore, #tpu.memory_space<semaphore_mem>>) src(%dma_wait3A_29 : memref<79x2x128xi32, #tpu.memory_space<hbm>>) dst(%arg8 : memref<79x2x128xi32, #tpu.memory_space<vmem>>)
      tpu.yield
    }) : () -> ()
    %scan3A = arith.constant 0 : i32
    %scan3A_7 = arith.constant 0 : i32
    %scan3A_8 = arith.constant 79 : i32
    %scan3A_9 = arith.addi %scan3A_7, %scan3A_8 : i32
    %scan3A_10 = arith.constant 1 : i32
    scf.for %scan3A_20 = %scan3A_7 to %scan3A_9 step %scan3A_10  : i32 {
      %dma_start3A = arith.constant 0 : i32
      %dma_start3A_21 = arith.constant 0 : i32
      %dma_start3A_22 = tpu.memref_slice %arg8[%scan3A_20, %dma_start3A, %dma_start3A_21] : memref<79x2x128xi32, #tpu.memory_space<vmem>> -> memref<1x1x128xi32, #tpu.memory_space<vmem>>
      %dma_start3A_23 = tpu.memref_squeeze %dma_start3A_22 : memref<1x1x128xi32, #tpu.memory_space<vmem>> -> memref<128xi32, #tpu.memory_space<vmem>>
      %dma_start3A_24 = arith.constant 0 : i32
      %dma_start3A_25 = arith.constant 0 : i32
      %dma_start3A_26 = tpu.memref_slice %arg3[%dma_start3A_24, %dma_start3A_25] : memref<10000x128xf32, #tpu.memory_space<hbm>> -> memref<10000x128xf32, #tpu.memory_space<hbm>>
      tpu.enqueue_indirect_dma source(%dma_start3A_26 : memref<10000x128xf32, #tpu.memory_space<hbm>>) target(%arg9 : memref<128x128xf32, #tpu.memory_space<vmem>>) offsets(%dma_start3A_23 : memref<128xi32, #tpu.memory_space<vmem>>) semaphore(%arg11 : memref<!tpu.dma_semaphore, #tpu.memory_space<semaphore_mem>>)
      %dma_wait3A = arith.constant 0 : i32
      %dma_wait3A_27 = arith.constant 0 : i32
      %dma_wait3A_28 = tpu.memref_slice %arg8[%scan3A_20, %dma_wait3A, %dma_wait3A_27] : memref<79x2x128xi32, #tpu.memory_space<vmem>> -> memref<1x1x128xi32, #tpu.memory_space<vmem>>
      %dma_wait3A_29 = tpu.memref_squeeze %dma_wait3A_28 : memref<1x1x128xi32, #tpu.memory_space<vmem>> -> memref<128xi32, #tpu.memory_space<vmem>>
      %dma_wait3A_30 = arith.constant 0 : i32
      %dma_wait3A_31 = arith.constant 0 : i32
      %dma_wait3A_32 = tpu.memref_slice %arg3[%dma_wait3A_30, %dma_wait3A_31] : memref<10000x128xf32, #tpu.memory_space<hbm>> -> memref<10000x128xf32, #tpu.memory_space<hbm>>
      tpu.wait_indirect_dma semaphore(%arg11 : memref<!tpu.dma_semaphore, #tpu.memory_space<semaphore_mem>>) src(%dma_wait3A_32 : memref<10000x128xf32, #tpu.memory_space<hbm>>) dst(%arg9 : memref<128x128xf32, #tpu.memory_space<vmem>>)
      %run_scoped3A = arith.constant 1 : i32
      "tpu.region"() ({
        %run_scoped3A_33 = tpu.sem_alloc : memref<!tpu.dma_semaphore, #tpu.memory_space<semaphore_mem>>
        %dma_start3A_34 = arith.constant 0 : i32
        %dma_start3A_35 = tpu.memref_slice %arg8[%scan3A_20, %run_scoped3A, %dma_start3A_34] : memref<79x2x128xi32, #tpu.memory_space<vmem>> -> memref<1x1x128xi32, #tpu.memory_space<vmem>>
        %dma_start3A_36 = tpu.memref_squeeze %dma_start3A_35 : memref<1x1x128xi32, #tpu.memory_space<vmem>> -> memref<128xi32, #tpu.memory_space<vmem>>
        %dma_start3A_37 = arith.constant 0 : i32
        %dma_start3A_38 = arith.constant 0 : i32
        %dma_start3A_39 = tpu.memref_slice %arg10[%dma_start3A_37, %dma_start3A_38] : memref<10112x128xf32, #tpu.memory_space<vmem_shared>> -> memref<10112x128xf32, #tpu.memory_space<vmem_shared>>
        tpu.enqueue_indirect_dma source(%arg9 : memref<128x128xf32, #tpu.memory_space<vmem>>) target(%dma_start3A_39 : memref<10112x128xf32, #tpu.memory_space<vmem_shared>>) offsets(%dma_start3A_36 : memref<128xi32, #tpu.memory_space<vmem>>) semaphore(%run_scoped3A_33 : memref<!tpu.dma_semaphore, #tpu.memory_space<semaphore_mem>>) {add = true}
        %dma_wait3A_40 = arith.constant 0 : i32
        %dma_wait3A_41 = tpu.memref_slice %arg8[%scan3A_20, %run_scoped3A, %dma_wait3A_40] : memref<79x2x128xi32, #tpu.memory_space<vmem>> -> memref<1x1x128xi32, #tpu.memory_space<vmem>>
        %dma_wait3A_42 = tpu.memref_squeeze %dma_wait3A_41 : memref<1x1x128xi32, #tpu.memory_space<vmem>> -> memref<128xi32, #tpu.memory_space<vmem>>
        %dma_wait3A_43 = arith.constant 0 : i32
        %dma_wait3A_44 = arith.constant 0 : i32
        %dma_wait3A_45 = tpu.memref_slice %arg10[%dma_wait3A_43, %dma_wait3A_44] : memref<10112x128xf32, #tpu.memory_space<vmem_shared>> -> memref<10112x128xf32, #tpu.memory_space<vmem_shared>>
        tpu.wait_indirect_dma semaphore(%run_scoped3A_33 : memref<!tpu.dma_semaphore, #tpu.memory_space<semaphore_mem>>) src(%arg9 : memref<128x128xf32, #tpu.memory_space<vmem>>) dst(%dma_wait3A_45 : memref<10112x128xf32, #tpu.memory_space<vmem_shared>>)
        tpu.yield
      }) : () -> ()
    }
    %scan3A_11 = arith.constant 79 : i32
    %barrier3A_12 = arith.constant 0 : index
    tpu.barrier barrier_id(%barrier3A_12)
    %eq3A = arith.constant 0 : i32
    %eq3A_13 = arith.cmpi eq, %arg0, %eq3A : i32
    %convert_element_type3A = arith.extui %eq3A_13 : i1 to i32
    %cond3A = arith.constant 0 : i32
    %cond3A_14 = arith.cmpi ne, %convert_element_type3A, %cond3A : i32
    scf.if %cond3A_14 {
      "tpu.region"() ({
        %run_scoped3A = tpu.sem_alloc : memref<!tpu.dma_semaphore, #tpu.memory_space<semaphore_mem>>
        %dma_start3A = arith.constant 0 : i32
        %dma_start3A_20 = tpu.memref_slice %arg6[%mul3A_0, %dma_start3A] : memref<10112x128xf32, #tpu.memory_space<hbm>> -> memref<632x128xf32, #tpu.memory_space<hbm>>
        %dma_start3A_21 = arith.constant 0 : i32
        %dma_start3A_22 = tpu.memref_slice %arg10[%mul3A_0, %dma_start3A_21] : memref<10112x128xf32, #tpu.memory_space<vmem_shared>> -> memref<632x128xf32, #tpu.memory_space<vmem_shared>>
        tpu.enqueue_dma source(%dma_start3A_22 : memref<632x128xf32, #tpu.memory_space<vmem_shared>>) target(%dma_start3A_20 : memref<632x128xf32, #tpu.memory_space<hbm>>) target_semaphore(%run_scoped3A : memref<!tpu.dma_semaphore, #tpu.memory_space<semaphore_mem>>)
        %dma_wait3A = arith.constant 0 : i32
        %dma_wait3A_23 = tpu.memref_slice %arg6[%mul3A_0, %dma_wait3A] : memref<10112x128xf32, #tpu.memory_space<hbm>> -> memref<632x128xf32, #tpu.memory_space<hbm>>
        %dma_wait3A_24 = arith.constant 0 : i32
        %dma_wait3A_25 = tpu.memref_slice %arg10[%mul3A_0, %dma_wait3A_24] : memref<10112x128xf32, #tpu.memory_space<vmem_shared>> -> memref<632x128xf32, #tpu.memory_space<vmem_shared>>
        tpu.wait_dma2 semaphore(%run_scoped3A : memref<!tpu.dma_semaphore, #tpu.memory_space<semaphore_mem>>) src(%dma_wait3A_25 : memref<632x128xf32, #tpu.memory_space<vmem_shared>>) dst(%dma_wait3A_23 : memref<632x128xf32, #tpu.memory_space<hbm>>)
        tpu.yield
      }) : () -> ()
    } else {
    }
    %eq3A_15 = arith.constant 1 : i32
    %eq3A_16 = arith.cmpi eq, %arg0, %eq3A_15 : i32
    %convert_element_type3A_17 = arith.extui %eq3A_16 : i1 to i32
    %cond3A_18 = arith.constant 0 : i32
    %cond3A_19 = arith.cmpi ne, %convert_element_type3A_17, %cond3A_18 : i32
    scf.if %cond3A_19 {
      "tpu.region"() ({
        %run_scoped3A = tpu.sem_alloc : memref<!tpu.dma_semaphore, #tpu.memory_space<semaphore_mem>>
        %dma_start3A = arith.constant 0 : i32
        %dma_start3A_20 = tpu.memref_slice %arg7[%mul3A_0, %dma_start3A] : memref<10112x128xf32, #tpu.memory_space<hbm>> -> memref<632x128xf32, #tpu.memory_space<hbm>>
        %dma_start3A_21 = arith.constant 0 : i32
        %dma_start3A_22 = tpu.memref_slice %arg10[%mul3A_0, %dma_start3A_21] : memref<10112x128xf32, #tpu.memory_space<vmem_shared>> -> memref<632x128xf32, #tpu.memory_space<vmem_shared>>
        tpu.enqueue_dma source(%dma_start3A_22 : memref<632x128xf32, #tpu.memory_space<vmem_shared>>) target(%dma_start3A_20 : memref<632x128xf32, #tpu.memory_space<hbm>>) target_semaphore(%run_scoped3A : memref<!tpu.dma_semaphore, #tpu.memory_space<semaphore_mem>>)
        %dma_wait3A = arith.constant 0 : i32
        %dma_wait3A_23 = tpu.memref_slice %arg7[%mul3A_0, %dma_wait3A] : memref<10112x128xf32, #tpu.memory_space<hbm>> -> memref<632x128xf32, #tpu.memory_space<hbm>>
        %dma_wait3A_24 = arith.constant 0 : i32
        %dma_wait3A_25 = tpu.memref_slice %arg10[%mul3A_0, %dma_wait3A_24] : memref<10112x128xf32, #tpu.memory_space<vmem_shared>> -> memref<632x128xf32, #tpu.memory_space<vmem_shared>>
        tpu.wait_dma2 semaphore(%run_scoped3A : memref<!tpu.dma_semaphore, #tpu.memory_space<semaphore_mem>>) src(%dma_wait3A_25 : memref<632x128xf32, #tpu.memory_space<vmem_shared>>) dst(%dma_wait3A_23 : memref<632x128xf32, #tpu.memory_space<hbm>>)
        tpu.yield
      }) : () -> ()
    } else {
    }
    return
  }
}

#map = affine_map<(d0, d1) -> (0, 0, 0)>
#map1 = affine_map<(d0, d1) -> (0, 0)>
module attributes {stable_mosaic.version = 14 : i64} {
  func.func @k(%arg0: i32, %arg1: i32, %arg2: memref<2528x2x128xi32, #tpu.memory_space<hbm>>, %arg3: memref<10000x128xf32, #tpu.memory_space<hbm>>, %arg4: memref<10000x128xf32, #tpu.memory_space<hbm>>, %arg5: memref<10112x128xf32, #tpu.memory_space<hbm>>, %arg6: memref<10112x128xf32, #tpu.memory_space<hbm>>, %arg7: memref<10112x128xf32, #tpu.memory_space<hbm>>, %arg8: memref<79x2x128xi32, #tpu.memory_space<vmem>>, %arg9: memref<128x128xf32, #tpu.memory_space<vmem>>, %arg10: memref<10112x128xf32, #tpu.memory_space<vmem_shared>>, %arg11: memref<!tpu.dma_semaphore, #tpu.memory_space<semaphore_mem>>) attributes {dimension_semantics = [#tpu.dimension_semantics<core_parallel>, #tpu.dimension_semantics<subcore_parallel>], iteration_bounds = array<i64: 2, 16>, scalar_prefetch = 0 : i64, scratch_operands = 4 : i64, tpu.core_type = #tpu.core_type<sc_vector_subcore>, window_params = [{transform_indices = #map}, {transform_indices = #map1}, {transform_indices = #map1}, {transform_indices = #map1}, {transform_indices = #map1}, {transform_indices = #map1}]} {
    %mul3A = arith.constant 632 : i32
    %mul3A_0 = arith.muli %arg1, %mul3A : i32
    "tpu.region"() ({
      %run_scoped3A = tpu.sem_alloc : memref<!tpu.dma_semaphore, #tpu.memory_space<semaphore_mem>>
      %dma_start3A = arith.constant 0 : i32
      %dma_start3A_25 = tpu.memref_slice %arg10[%mul3A_0, %dma_start3A] : memref<10112x128xf32, #tpu.memory_space<vmem_shared>> -> memref<632x128xf32, #tpu.memory_space<vmem_shared>>
      %dma_start3A_26 = arith.constant 0 : i32
      %dma_start3A_27 = tpu.memref_slice %arg5[%mul3A_0, %dma_start3A_26] : memref<10112x128xf32, #tpu.memory_space<hbm>> -> memref<632x128xf32, #tpu.memory_space<hbm>>
      tpu.enqueue_dma source(%dma_start3A_27 : memref<632x128xf32, #tpu.memory_space<hbm>>) target(%dma_start3A_25 : memref<632x128xf32, #tpu.memory_space<vmem_shared>>) target_semaphore(%run_scoped3A : memref<!tpu.dma_semaphore, #tpu.memory_space<semaphore_mem>>)
      %dma_wait3A = arith.constant 0 : i32
      %dma_wait3A_28 = tpu.memref_slice %arg10[%mul3A_0, %dma_wait3A] : memref<10112x128xf32, #tpu.memory_space<vmem_shared>> -> memref<632x128xf32, #tpu.memory_space<vmem_shared>>
      %dma_wait3A_29 = arith.constant 0 : i32
      %dma_wait3A_30 = tpu.memref_slice %arg5[%mul3A_0, %dma_wait3A_29] : memref<10112x128xf32, #tpu.memory_space<hbm>> -> memref<632x128xf32, #tpu.memory_space<hbm>>
      tpu.wait_dma2 semaphore(%run_scoped3A : memref<!tpu.dma_semaphore, #tpu.memory_space<semaphore_mem>>) src(%dma_wait3A_30 : memref<632x128xf32, #tpu.memory_space<hbm>>) dst(%dma_wait3A_28 : memref<632x128xf32, #tpu.memory_space<vmem_shared>>)
      tpu.yield
    }) : () -> ()
    %barrier3A = arith.constant 0 : index
    tpu.barrier barrier_id(%barrier3A)
    %mul3A_1 = arith.constant 158 : i32
    %mul3A_2 = arith.muli %arg1, %mul3A_1 : i32
    %add3A = arith.constant 0 : i32
    %add3A_3 = arith.addi %mul3A_2, %add3A : i32
    "tpu.region"() ({
      %run_scoped3A = tpu.sem_alloc : memref<!tpu.dma_semaphore, #tpu.memory_space<semaphore_mem>>
      %dma_start3A = arith.constant 0 : i32
      %dma_start3A_25 = arith.constant 0 : i32
      %dma_start3A_26 = tpu.memref_slice %arg2[%add3A_3, %dma_start3A, %dma_start3A_25] : memref<2528x2x128xi32, #tpu.memory_space<hbm>> -> memref<79x2x128xi32, #tpu.memory_space<hbm>>
      %dma_start3A_27 = arith.constant 0 : i32
      %dma_start3A_28 = arith.constant 0 : i32
      %dma_start3A_29 = tpu.memref_slice %arg2[%add3A_3, %dma_start3A_27, %dma_start3A_28] : memref<2528x2x128xi32, #tpu.memory_space<hbm>> -> memref<79x2x128xi32, #tpu.memory_space<hbm>>
      tpu.enqueue_dma source(%dma_start3A_29 : memref<79x2x128xi32, #tpu.memory_space<hbm>>) target(%arg8 : memref<79x2x128xi32, #tpu.memory_space<vmem>>) target_semaphore(%run_scoped3A : memref<!tpu.dma_semaphore, #tpu.memory_space<semaphore_mem>>)
      %dma_wait3A = arith.constant 0 : i32
      %dma_wait3A_30 = arith.constant 0 : i32
      %dma_wait3A_31 = tpu.memref_slice %arg2[%add3A_3, %dma_wait3A, %dma_wait3A_30] : memref<2528x2x128xi32, #tpu.memory_space<hbm>> -> memref<79x2x128xi32, #tpu.memory_space<hbm>>
      %dma_wait3A_32 = arith.constant 0 : i32
      %dma_wait3A_33 = arith.constant 0 : i32
      %dma_wait3A_34 = tpu.memref_slice %arg2[%add3A_3, %dma_wait3A_32, %dma_wait3A_33] : memref<2528x2x128xi32, #tpu.memory_space<hbm>> -> memref<79x2x128xi32, #tpu.memory_space<hbm>>
      tpu.wait_dma2 semaphore(%run_scoped3A : memref<!tpu.dma_semaphore, #tpu.memory_space<semaphore_mem>>) src(%dma_wait3A_34 : memref<79x2x128xi32, #tpu.memory_space<hbm>>) dst(%arg8 : memref<79x2x128xi32, #tpu.memory_space<vmem>>)
      tpu.yield
    }) : () -> ()
    %scan3A = arith.constant 0 : i32
    %scan3A_4 = arith.constant 0 : i32
    %scan3A_5 = arith.constant 79 : i32
    %scan3A_6 = arith.addi %scan3A_4, %scan3A_5 : i32
    %scan3A_7 = arith.constant 1 : i32
    scf.for %scan3A_25 = %scan3A_4 to %scan3A_6 step %scan3A_7  : i32 {
      %eq3A_26 = arith.constant 0 : i32
      %eq3A_27 = arith.cmpi eq, %arg0, %eq3A_26 : i32
      %convert_element_type3A_28 = arith.extui %eq3A_27 : i1 to i32
      %cond3A_29 = arith.constant 0 : i32
      %cond3A_30 = arith.cmpi ne, %convert_element_type3A_28, %cond3A_29 : i32
      scf.if %cond3A_30 {
        %dma_start3A = arith.constant 0 : i32
        %dma_start3A_36 = arith.constant 0 : i32
        %dma_start3A_37 = tpu.memref_slice %arg8[%scan3A_25, %dma_start3A, %dma_start3A_36] : memref<79x2x128xi32, #tpu.memory_space<vmem>> -> memref<1x1x128xi32, #tpu.memory_space<vmem>>
        %dma_start3A_38 = tpu.memref_squeeze %dma_start3A_37 : memref<1x1x128xi32, #tpu.memory_space<vmem>> -> memref<128xi32, #tpu.memory_space<vmem>>
        %dma_start3A_39 = arith.constant 0 : i32
        %dma_start3A_40 = arith.constant 0 : i32
        %dma_start3A_41 = tpu.memref_slice %arg3[%dma_start3A_39, %dma_start3A_40] : memref<10000x128xf32, #tpu.memory_space<hbm>> -> memref<10000x128xf32, #tpu.memory_space<hbm>>
        tpu.enqueue_indirect_dma source(%dma_start3A_41 : memref<10000x128xf32, #tpu.memory_space<hbm>>) target(%arg9 : memref<128x128xf32, #tpu.memory_space<vmem>>) offsets(%dma_start3A_38 : memref<128xi32, #tpu.memory_space<vmem>>) semaphore(%arg11 : memref<!tpu.dma_semaphore, #tpu.memory_space<semaphore_mem>>)
        %dma_wait3A = arith.constant 0 : i32
        %dma_wait3A_42 = arith.constant 0 : i32
        %dma_wait3A_43 = tpu.memref_slice %arg8[%scan3A_25, %dma_wait3A, %dma_wait3A_42] : memref<79x2x128xi32, #tpu.memory_space<vmem>> -> memref<1x1x128xi32, #tpu.memory_space<vmem>>
        %dma_wait3A_44 = tpu.memref_squeeze %dma_wait3A_43 : memref<1x1x128xi32, #tpu.memory_space<vmem>> -> memref<128xi32, #tpu.memory_space<vmem>>
        %dma_wait3A_45 = arith.constant 0 : i32
        %dma_wait3A_46 = arith.constant 0 : i32
        %dma_wait3A_47 = tpu.memref_slice %arg3[%dma_wait3A_45, %dma_wait3A_46] : memref<10000x128xf32, #tpu.memory_space<hbm>> -> memref<10000x128xf32, #tpu.memory_space<hbm>>
        tpu.wait_indirect_dma semaphore(%arg11 : memref<!tpu.dma_semaphore, #tpu.memory_space<semaphore_mem>>) src(%dma_wait3A_47 : memref<10000x128xf32, #tpu.memory_space<hbm>>) dst(%arg9 : memref<128x128xf32, #tpu.memory_space<vmem>>)
      } else {
      }
      %eq3A_31 = arith.constant 1 : i32
      %eq3A_32 = arith.cmpi eq, %arg0, %eq3A_31 : i32
      %convert_element_type3A_33 = arith.extui %eq3A_32 : i1 to i32
      %cond3A_34 = arith.constant 0 : i32
      %cond3A_35 = arith.cmpi ne, %convert_element_type3A_33, %cond3A_34 : i32
      scf.if %cond3A_35 {
        %dma_start3A = arith.constant 0 : i32
        %dma_start3A_36 = arith.constant 0 : i32
        %dma_start3A_37 = tpu.memref_slice %arg8[%scan3A_25, %dma_start3A, %dma_start3A_36] : memref<79x2x128xi32, #tpu.memory_space<vmem>> -> memref<1x1x128xi32, #tpu.memory_space<vmem>>
        %dma_start3A_38 = tpu.memref_squeeze %dma_start3A_37 : memref<1x1x128xi32, #tpu.memory_space<vmem>> -> memref<128xi32, #tpu.memory_space<vmem>>
        %dma_start3A_39 = arith.constant 0 : i32
        %dma_start3A_40 = arith.constant 0 : i32
        %dma_start3A_41 = tpu.memref_slice %arg4[%dma_start3A_39, %dma_start3A_40] : memref<10000x128xf32, #tpu.memory_space<hbm>> -> memref<10000x128xf32, #tpu.memory_space<hbm>>
        tpu.enqueue_indirect_dma source(%dma_start3A_41 : memref<10000x128xf32, #tpu.memory_space<hbm>>) target(%arg9 : memref<128x128xf32, #tpu.memory_space<vmem>>) offsets(%dma_start3A_38 : memref<128xi32, #tpu.memory_space<vmem>>) semaphore(%arg11 : memref<!tpu.dma_semaphore, #tpu.memory_space<semaphore_mem>>)
        %dma_wait3A = arith.constant 0 : i32
        %dma_wait3A_42 = arith.constant 0 : i32
        %dma_wait3A_43 = tpu.memref_slice %arg8[%scan3A_25, %dma_wait3A, %dma_wait3A_42] : memref<79x2x128xi32, #tpu.memory_space<vmem>> -> memref<1x1x128xi32, #tpu.memory_space<vmem>>
        %dma_wait3A_44 = tpu.memref_squeeze %dma_wait3A_43 : memref<1x1x128xi32, #tpu.memory_space<vmem>> -> memref<128xi32, #tpu.memory_space<vmem>>
        %dma_wait3A_45 = arith.constant 0 : i32
        %dma_wait3A_46 = arith.constant 0 : i32
        %dma_wait3A_47 = tpu.memref_slice %arg4[%dma_wait3A_45, %dma_wait3A_46] : memref<10000x128xf32, #tpu.memory_space<hbm>> -> memref<10000x128xf32, #tpu.memory_space<hbm>>
        tpu.wait_indirect_dma semaphore(%arg11 : memref<!tpu.dma_semaphore, #tpu.memory_space<semaphore_mem>>) src(%dma_wait3A_47 : memref<10000x128xf32, #tpu.memory_space<hbm>>) dst(%arg9 : memref<128x128xf32, #tpu.memory_space<vmem>>)
      } else {
      }
      %run_scoped3A = arith.constant 1 : i32
      "tpu.region"() ({
        %run_scoped3A_36 = tpu.sem_alloc : memref<!tpu.dma_semaphore, #tpu.memory_space<semaphore_mem>>
        %dma_start3A = arith.constant 0 : i32
        %dma_start3A_37 = tpu.memref_slice %arg8[%scan3A_25, %run_scoped3A, %dma_start3A] : memref<79x2x128xi32, #tpu.memory_space<vmem>> -> memref<1x1x128xi32, #tpu.memory_space<vmem>>
        %dma_start3A_38 = tpu.memref_squeeze %dma_start3A_37 : memref<1x1x128xi32, #tpu.memory_space<vmem>> -> memref<128xi32, #tpu.memory_space<vmem>>
        %dma_start3A_39 = arith.constant 0 : i32
        %dma_start3A_40 = arith.constant 0 : i32
        %dma_start3A_41 = tpu.memref_slice %arg10[%dma_start3A_39, %dma_start3A_40] : memref<10112x128xf32, #tpu.memory_space<vmem_shared>> -> memref<10112x128xf32, #tpu.memory_space<vmem_shared>>
        tpu.enqueue_indirect_dma source(%arg9 : memref<128x128xf32, #tpu.memory_space<vmem>>) target(%dma_start3A_41 : memref<10112x128xf32, #tpu.memory_space<vmem_shared>>) offsets(%dma_start3A_38 : memref<128xi32, #tpu.memory_space<vmem>>) semaphore(%run_scoped3A_36 : memref<!tpu.dma_semaphore, #tpu.memory_space<semaphore_mem>>) {add = true}
        %dma_wait3A = arith.constant 0 : i32
        %dma_wait3A_42 = tpu.memref_slice %arg8[%scan3A_25, %run_scoped3A, %dma_wait3A] : memref<79x2x128xi32, #tpu.memory_space<vmem>> -> memref<1x1x128xi32, #tpu.memory_space<vmem>>
        %dma_wait3A_43 = tpu.memref_squeeze %dma_wait3A_42 : memref<1x1x128xi32, #tpu.memory_space<vmem>> -> memref<128xi32, #tpu.memory_space<vmem>>
        %dma_wait3A_44 = arith.constant 0 : i32
        %dma_wait3A_45 = arith.constant 0 : i32
        %dma_wait3A_46 = tpu.memref_slice %arg10[%dma_wait3A_44, %dma_wait3A_45] : memref<10112x128xf32, #tpu.memory_space<vmem_shared>> -> memref<10112x128xf32, #tpu.memory_space<vmem_shared>>
        tpu.wait_indirect_dma semaphore(%run_scoped3A_36 : memref<!tpu.dma_semaphore, #tpu.memory_space<semaphore_mem>>) src(%arg9 : memref<128x128xf32, #tpu.memory_space<vmem>>) dst(%dma_wait3A_46 : memref<10112x128xf32, #tpu.memory_space<vmem_shared>>)
        tpu.yield
      }) : () -> ()
    }
    %scan3A_8 = arith.constant 79 : i32
    %add3A_9 = arith.constant 79 : i32
    %add3A_10 = arith.addi %mul3A_2, %add3A_9 : i32
    "tpu.region"() ({
      %run_scoped3A = tpu.sem_alloc : memref<!tpu.dma_semaphore, #tpu.memory_space<semaphore_mem>>
      %dma_start3A = arith.constant 0 : i32
      %dma_start3A_25 = arith.constant 0 : i32
      %dma_start3A_26 = tpu.memref_slice %arg2[%add3A_10, %dma_start3A, %dma_start3A_25] : memref<2528x2x128xi32, #tpu.memory_space<hbm>> -> memref<79x2x128xi32, #tpu.memory_space<hbm>>
      %dma_start3A_27 = arith.constant 0 : i32
      %dma_start3A_28 = arith.constant 0 : i32
      %dma_start3A_29 = tpu.memref_slice %arg2[%add3A_10, %dma_start3A_27, %dma_start3A_28] : memref<2528x2x128xi32, #tpu.memory_space<hbm>> -> memref<79x2x128xi32, #tpu.memory_space<hbm>>
      tpu.enqueue_dma source(%dma_start3A_29 : memref<79x2x128xi32, #tpu.memory_space<hbm>>) target(%arg8 : memref<79x2x128xi32, #tpu.memory_space<vmem>>) target_semaphore(%run_scoped3A : memref<!tpu.dma_semaphore, #tpu.memory_space<semaphore_mem>>)
      %dma_wait3A = arith.constant 0 : i32
      %dma_wait3A_30 = arith.constant 0 : i32
      %dma_wait3A_31 = tpu.memref_slice %arg2[%add3A_10, %dma_wait3A, %dma_wait3A_30] : memref<2528x2x128xi32, #tpu.memory_space<hbm>> -> memref<79x2x128xi32, #tpu.memory_space<hbm>>
      %dma_wait3A_32 = arith.constant 0 : i32
      %dma_wait3A_33 = arith.constant 0 : i32
      %dma_wait3A_34 = tpu.memref_slice %arg2[%add3A_10, %dma_wait3A_32, %dma_wait3A_33] : memref<2528x2x128xi32, #tpu.memory_space<hbm>> -> memref<79x2x128xi32, #tpu.memory_space<hbm>>
      tpu.wait_dma2 semaphore(%run_scoped3A : memref<!tpu.dma_semaphore, #tpu.memory_space<semaphore_mem>>) src(%dma_wait3A_34 : memref<79x2x128xi32, #tpu.memory_space<hbm>>) dst(%arg8 : memref<79x2x128xi32, #tpu.memory_space<vmem>>)
      tpu.yield
    }) : () -> ()
    %scan3A_11 = arith.constant 0 : i32
    %scan3A_12 = arith.constant 0 : i32
    %scan3A_13 = arith.constant 79 : i32
    %scan3A_14 = arith.addi %scan3A_12, %scan3A_13 : i32
    %scan3A_15 = arith.constant 1 : i32
    scf.for %scan3A_25 = %scan3A_12 to %scan3A_14 step %scan3A_15  : i32 {
      %eq3A_26 = arith.constant 0 : i32
      %eq3A_27 = arith.cmpi eq, %arg0, %eq3A_26 : i32
      %convert_element_type3A_28 = arith.extui %eq3A_27 : i1 to i32
      %cond3A_29 = arith.constant 0 : i32
      %cond3A_30 = arith.cmpi ne, %convert_element_type3A_28, %cond3A_29 : i32
      scf.if %cond3A_30 {
        %dma_start3A = arith.constant 0 : i32
        %dma_start3A_36 = arith.constant 0 : i32
        %dma_start3A_37 = tpu.memref_slice %arg8[%scan3A_25, %dma_start3A, %dma_start3A_36] : memref<79x2x128xi32, #tpu.memory_space<vmem>> -> memref<1x1x128xi32, #tpu.memory_space<vmem>>
        %dma_start3A_38 = tpu.memref_squeeze %dma_start3A_37 : memref<1x1x128xi32, #tpu.memory_space<vmem>> -> memref<128xi32, #tpu.memory_space<vmem>>
        %dma_start3A_39 = arith.constant 0 : i32
        %dma_start3A_40 = arith.constant 0 : i32
        %dma_start3A_41 = tpu.memref_slice %arg3[%dma_start3A_39, %dma_start3A_40] : memref<10000x128xf32, #tpu.memory_space<hbm>> -> memref<10000x128xf32, #tpu.memory_space<hbm>>
        tpu.enqueue_indirect_dma source(%dma_start3A_41 : memref<10000x128xf32, #tpu.memory_space<hbm>>) target(%arg9 : memref<128x128xf32, #tpu.memory_space<vmem>>) offsets(%dma_start3A_38 : memref<128xi32, #tpu.memory_space<vmem>>) semaphore(%arg11 : memref<!tpu.dma_semaphore, #tpu.memory_space<semaphore_mem>>)
        %dma_wait3A = arith.constant 0 : i32
        %dma_wait3A_42 = arith.constant 0 : i32
        %dma_wait3A_43 = tpu.memref_slice %arg8[%scan3A_25, %dma_wait3A, %dma_wait3A_42] : memref<79x2x128xi32, #tpu.memory_space<vmem>> -> memref<1x1x128xi32, #tpu.memory_space<vmem>>
        %dma_wait3A_44 = tpu.memref_squeeze %dma_wait3A_43 : memref<1x1x128xi32, #tpu.memory_space<vmem>> -> memref<128xi32, #tpu.memory_space<vmem>>
        %dma_wait3A_45 = arith.constant 0 : i32
        %dma_wait3A_46 = arith.constant 0 : i32
        %dma_wait3A_47 = tpu.memref_slice %arg3[%dma_wait3A_45, %dma_wait3A_46] : memref<10000x128xf32, #tpu.memory_space<hbm>> -> memref<10000x128xf32, #tpu.memory_space<hbm>>
        tpu.wait_indirect_dma semaphore(%arg11 : memref<!tpu.dma_semaphore, #tpu.memory_space<semaphore_mem>>) src(%dma_wait3A_47 : memref<10000x128xf32, #tpu.memory_space<hbm>>) dst(%arg9 : memref<128x128xf32, #tpu.memory_space<vmem>>)
      } else {
      }
      %eq3A_31 = arith.constant 1 : i32
      %eq3A_32 = arith.cmpi eq, %arg0, %eq3A_31 : i32
      %convert_element_type3A_33 = arith.extui %eq3A_32 : i1 to i32
      %cond3A_34 = arith.constant 0 : i32
      %cond3A_35 = arith.cmpi ne, %convert_element_type3A_33, %cond3A_34 : i32
      scf.if %cond3A_35 {
        %dma_start3A = arith.constant 0 : i32
        %dma_start3A_36 = arith.constant 0 : i32
        %dma_start3A_37 = tpu.memref_slice %arg8[%scan3A_25, %dma_start3A, %dma_start3A_36] : memref<79x2x128xi32, #tpu.memory_space<vmem>> -> memref<1x1x128xi32, #tpu.memory_space<vmem>>
        %dma_start3A_38 = tpu.memref_squeeze %dma_start3A_37 : memref<1x1x128xi32, #tpu.memory_space<vmem>> -> memref<128xi32, #tpu.memory_space<vmem>>
        %dma_start3A_39 = arith.constant 0 : i32
        %dma_start3A_40 = arith.constant 0 : i32
        %dma_start3A_41 = tpu.memref_slice %arg4[%dma_start3A_39, %dma_start3A_40] : memref<10000x128xf32, #tpu.memory_space<hbm>> -> memref<10000x128xf32, #tpu.memory_space<hbm>>
        tpu.enqueue_indirect_dma source(%dma_start3A_41 : memref<10000x128xf32, #tpu.memory_space<hbm>>) target(%arg9 : memref<128x128xf32, #tpu.memory_space<vmem>>) offsets(%dma_start3A_38 : memref<128xi32, #tpu.memory_space<vmem>>) semaphore(%arg11 : memref<!tpu.dma_semaphore, #tpu.memory_space<semaphore_mem>>)
        %dma_wait3A = arith.constant 0 : i32
        %dma_wait3A_42 = arith.constant 0 : i32
        %dma_wait3A_43 = tpu.memref_slice %arg8[%scan3A_25, %dma_wait3A, %dma_wait3A_42] : memref<79x2x128xi32, #tpu.memory_space<vmem>> -> memref<1x1x128xi32, #tpu.memory_space<vmem>>
        %dma_wait3A_44 = tpu.memref_squeeze %dma_wait3A_43 : memref<1x1x128xi32, #tpu.memory_space<vmem>> -> memref<128xi32, #tpu.memory_space<vmem>>
        %dma_wait3A_45 = arith.constant 0 : i32
        %dma_wait3A_46 = arith.constant 0 : i32
        %dma_wait3A_47 = tpu.memref_slice %arg4[%dma_wait3A_45, %dma_wait3A_46] : memref<10000x128xf32, #tpu.memory_space<hbm>> -> memref<10000x128xf32, #tpu.memory_space<hbm>>
        tpu.wait_indirect_dma semaphore(%arg11 : memref<!tpu.dma_semaphore, #tpu.memory_space<semaphore_mem>>) src(%dma_wait3A_47 : memref<10000x128xf32, #tpu.memory_space<hbm>>) dst(%arg9 : memref<128x128xf32, #tpu.memory_space<vmem>>)
      } else {
      }
      %run_scoped3A = arith.constant 1 : i32
      "tpu.region"() ({
        %run_scoped3A_36 = tpu.sem_alloc : memref<!tpu.dma_semaphore, #tpu.memory_space<semaphore_mem>>
        %dma_start3A = arith.constant 0 : i32
        %dma_start3A_37 = tpu.memref_slice %arg8[%scan3A_25, %run_scoped3A, %dma_start3A] : memref<79x2x128xi32, #tpu.memory_space<vmem>> -> memref<1x1x128xi32, #tpu.memory_space<vmem>>
        %dma_start3A_38 = tpu.memref_squeeze %dma_start3A_37 : memref<1x1x128xi32, #tpu.memory_space<vmem>> -> memref<128xi32, #tpu.memory_space<vmem>>
        %dma_start3A_39 = arith.constant 0 : i32
        %dma_start3A_40 = arith.constant 0 : i32
        %dma_start3A_41 = tpu.memref_slice %arg10[%dma_start3A_39, %dma_start3A_40] : memref<10112x128xf32, #tpu.memory_space<vmem_shared>> -> memref<10112x128xf32, #tpu.memory_space<vmem_shared>>
        tpu.enqueue_indirect_dma source(%arg9 : memref<128x128xf32, #tpu.memory_space<vmem>>) target(%dma_start3A_41 : memref<10112x128xf32, #tpu.memory_space<vmem_shared>>) offsets(%dma_start3A_38 : memref<128xi32, #tpu.memory_space<vmem>>) semaphore(%run_scoped3A_36 : memref<!tpu.dma_semaphore, #tpu.memory_space<semaphore_mem>>) {add = true}
        %dma_wait3A = arith.constant 0 : i32
        %dma_wait3A_42 = tpu.memref_slice %arg8[%scan3A_25, %run_scoped3A, %dma_wait3A] : memref<79x2x128xi32, #tpu.memory_space<vmem>> -> memref<1x1x128xi32, #tpu.memory_space<vmem>>
        %dma_wait3A_43 = tpu.memref_squeeze %dma_wait3A_42 : memref<1x1x128xi32, #tpu.memory_space<vmem>> -> memref<128xi32, #tpu.memory_space<vmem>>
        %dma_wait3A_44 = arith.constant 0 : i32
        %dma_wait3A_45 = arith.constant 0 : i32
        %dma_wait3A_46 = tpu.memref_slice %arg10[%dma_wait3A_44, %dma_wait3A_45] : memref<10112x128xf32, #tpu.memory_space<vmem_shared>> -> memref<10112x128xf32, #tpu.memory_space<vmem_shared>>
        tpu.wait_indirect_dma semaphore(%run_scoped3A_36 : memref<!tpu.dma_semaphore, #tpu.memory_space<semaphore_mem>>) src(%arg9 : memref<128x128xf32, #tpu.memory_space<vmem>>) dst(%dma_wait3A_46 : memref<10112x128xf32, #tpu.memory_space<vmem_shared>>)
        tpu.yield
      }) : () -> ()
    }
    %scan3A_16 = arith.constant 79 : i32
    %barrier3A_17 = arith.constant 0 : index
    tpu.barrier barrier_id(%barrier3A_17)
    %eq3A = arith.constant 0 : i32
    %eq3A_18 = arith.cmpi eq, %arg0, %eq3A : i32
    %convert_element_type3A = arith.extui %eq3A_18 : i1 to i32
    %cond3A = arith.constant 0 : i32
    %cond3A_19 = arith.cmpi ne, %convert_element_type3A, %cond3A : i32
    scf.if %cond3A_19 {
      "tpu.region"() ({
        %run_scoped3A = tpu.sem_alloc : memref<!tpu.dma_semaphore, #tpu.memory_space<semaphore_mem>>
        %dma_start3A = arith.constant 0 : i32
        %dma_start3A_25 = tpu.memref_slice %arg6[%mul3A_0, %dma_start3A] : memref<10112x128xf32, #tpu.memory_space<hbm>> -> memref<632x128xf32, #tpu.memory_space<hbm>>
        %dma_start3A_26 = arith.constant 0 : i32
        %dma_start3A_27 = tpu.memref_slice %arg10[%mul3A_0, %dma_start3A_26] : memref<10112x128xf32, #tpu.memory_space<vmem_shared>> -> memref<632x128xf32, #tpu.memory_space<vmem_shared>>
        tpu.enqueue_dma source(%dma_start3A_27 : memref<632x128xf32, #tpu.memory_space<vmem_shared>>) target(%dma_start3A_25 : memref<632x128xf32, #tpu.memory_space<hbm>>) target_semaphore(%run_scoped3A : memref<!tpu.dma_semaphore, #tpu.memory_space<semaphore_mem>>)
        %dma_wait3A = arith.constant 0 : i32
        %dma_wait3A_28 = tpu.memref_slice %arg6[%mul3A_0, %dma_wait3A] : memref<10112x128xf32, #tpu.memory_space<hbm>> -> memref<632x128xf32, #tpu.memory_space<hbm>>
        %dma_wait3A_29 = arith.constant 0 : i32
        %dma_wait3A_30 = tpu.memref_slice %arg10[%mul3A_0, %dma_wait3A_29] : memref<10112x128xf32, #tpu.memory_space<vmem_shared>> -> memref<632x128xf32, #tpu.memory_space<vmem_shared>>
        tpu.wait_dma2 semaphore(%run_scoped3A : memref<!tpu.dma_semaphore, #tpu.memory_space<semaphore_mem>>) src(%dma_wait3A_30 : memref<632x128xf32, #tpu.memory_space<vmem_shared>>) dst(%dma_wait3A_28 : memref<632x128xf32, #tpu.memory_space<hbm>>)
        tpu.yield
      }) : () -> ()
    } else {
    }
    %eq3A_20 = arith.constant 1 : i32
    %eq3A_21 = arith.cmpi eq, %arg0, %eq3A_20 : i32
    %convert_element_type3A_22 = arith.extui %eq3A_21 : i1 to i32
    %cond3A_23 = arith.constant 0 : i32
    %cond3A_24 = arith.cmpi ne, %convert_element_type3A_22, %cond3A_23 : i32
    scf.if %cond3A_24 {
      "tpu.region"() ({
        %run_scoped3A = tpu.sem_alloc : memref<!tpu.dma_semaphore, #tpu.memory_space<semaphore_mem>>
        %dma_start3A = arith.constant 0 : i32
        %dma_start3A_25 = tpu.memref_slice %arg7[%mul3A_0, %dma_start3A] : memref<10112x128xf32, #tpu.memory_space<hbm>> -> memref<632x128xf32, #tpu.memory_space<hbm>>
        %dma_start3A_26 = arith.constant 0 : i32
        %dma_start3A_27 = tpu.memref_slice %arg10[%mul3A_0, %dma_start3A_26] : memref<10112x128xf32, #tpu.memory_space<vmem_shared>> -> memref<632x128xf32, #tpu.memory_space<vmem_shared>>
        tpu.enqueue_dma source(%dma_start3A_27 : memref<632x128xf32, #tpu.memory_space<vmem_shared>>) target(%dma_start3A_25 : memref<632x128xf32, #tpu.memory_space<hbm>>) target_semaphore(%run_scoped3A : memref<!tpu.dma_semaphore, #tpu.memory_space<semaphore_mem>>)
        %dma_wait3A = arith.constant 0 : i32
        %dma_wait3A_28 = tpu.memref_slice %arg7[%mul3A_0, %dma_wait3A] : memref<10112x128xf32, #tpu.memory_space<hbm>> -> memref<632x128xf32, #tpu.memory_space<hbm>>
        %dma_wait3A_29 = arith.constant 0 : i32
        %dma_wait3A_30 = tpu.memref_slice %arg10[%mul3A_0, %dma_wait3A_29] : memref<10112x128xf32, #tpu.memory_space<vmem_shared>> -> memref<632x128xf32, #tpu.memory_space<vmem_shared>>
        tpu.wait_dma2 semaphore(%run_scoped3A : memref<!tpu.dma_semaphore, #tpu.memory_space<semaphore_mem>>) src(%dma_wait3A_30 : memref<632x128xf32, #tpu.memory_space<vmem_shared>>) dst(%dma_wait3A_28 : memref<632x128xf32, #tpu.memory_space<hbm>>)
        tpu.yield
      }) : () -> ()
    } else {
    }
    return
  }
}

module attributes {stable_mosaic.version = 14 : i64} {
  func.func @_proj0_kern(%arg0: i32, %arg1: memref<1000x128xf32, #tpu.memory_space<vmem>>, %arg2: memref<128x128xf32, #tpu.memory_space<vmem>>, %arg3: memref<1x128xf32, #tpu.memory_space<vmem>>, %arg4: memref<1000x128xf32, #tpu.memory_space<vmem>>) attributes {dimension_semantics = [#tpu.dimension_semantics<arbitrary>], iteration_bounds = array<i64: 10>, scalar_prefetch = 0 : i64, scratch_operands = 0 : i64, tpu.core_type = #tpu.core_type<tc>, window_params = [{transform_indices = @transform_0, window_bounds = array<i64: 1000, 128>}, {pipeline_mode = #tpu.pipeline_mode<synchronous>, transform_indices = @transform_1, window_bounds = array<i64: 128, 128>}, {pipeline_mode = #tpu.pipeline_mode<synchronous>, transform_indices = @transform_2, window_bounds = array<i64: 1, 128>}, {transform_indices = @transform_3, window_bounds = array<i64: 1000, 128>}]} {
    %get3A = arith.constant 0 : index
    %get3A_0 = arith.constant 0 : index
    %get3A_1 = vector.load %arg1[%get3A, %get3A_0] : memref<1000x128xf32, #tpu.memory_space<vmem>>, vector<1000x128xf32>
    %get3A_2 = arith.constant 0 : index
    %get3A_3 = arith.constant 0 : index
    %get3A_4 = vector.load %arg2[%get3A_2, %get3A_3] : memref<128x128xf32, #tpu.memory_space<vmem>>, vector<128x128xf32>
    %dot_general3A = arith.constant dense<0.000000e+00> : vector<1000x128xf32>
    %dot_general3A_5 = tpu.matmul %get3A_1, %get3A_4, %dot_general3A {dimension_numbers = #tpu.dot_dimension_numbers<[1], [0], [0], [1], [0, 0, 1, 1], [], []>, transpose_lhs_hint = false} : vector<1000x128xf32>, vector<128x128xf32>, vector<1000x128xf32> -> vector<1000x128xf32>
    %get3A_6 = arith.constant 0 : index
    %get3A_7 = arith.constant 0 : index
    %get3A_8 = vector.load %arg3[%get3A_6, %get3A_7] : memref<1x128xf32, #tpu.memory_space<vmem>>, vector<1x128xf32>
    %add3A = vector.broadcast %get3A_8 : vector<1x128xf32> to vector<1000x128xf32>
    %add3A_9 = arith.addf %dot_general3A_5, %add3A : vector<1000x128xf32>
    %max3A = arith.constant 0.000000e+00 : f32
    %max3A_10 = vector.broadcast %max3A : f32 to vector<1000x128xf32>
    %max3A_11 = arith.maximumf %add3A_9, %max3A_10 : vector<1000x128xf32>
    %swap3A = arith.constant 0 : index
    %swap3A_12 = arith.constant 0 : index
    %swap3A_13 = vector.load %arg4[%swap3A, %swap3A_12] : memref<1000x128xf32, #tpu.memory_space<vmem>>, vector<1000x128xf32>
    tpu.vector_store %arg4[%swap3A, %swap3A_12], %max3A_11 {strides = array<i32>} : memref<1000x128xf32, #tpu.memory_space<vmem>>, vector<1000x128xf32>,
    return
  }
  func.func @transform_0(%arg0: i32) -> (i32, i32) {
    %c0_i32 = arith.constant 0 : i32
    %c0_i32_0 = arith.constant 0 : i32
    return %arg0, %c0_i32 : i32, i32
  }
  func.func @transform_1(%arg0: i32) -> (i32, i32) {
    %c0_i32 = arith.constant 0 : i32
    %c0_i32_0 = arith.constant 0 : i32
    %c0_i32_1 = arith.constant 0 : i32
    return %c0_i32, %c0_i32_0 : i32, i32
  }
  func.func @transform_2(%arg0: i32) -> (i32, i32) {
    %c0_i32 = arith.constant 0 : i32
    %c0_i32_0 = arith.constant 0 : i32
    %c0_i32_1 = arith.constant 0 : i32
    return %c0_i32, %c0_i32_0 : i32, i32
  }
  func.func @transform_3(%arg0: i32) -> (i32, i32) {
    %c0_i32 = arith.constant 0 : i32
    %c0_i32_0 = arith.constant 0 : i32
    return %arg0, %c0_i32 : i32, i32
  }
}

module attributes {stable_mosaic.version = 14 : i64} {
  func.func @_comb_kern(%arg0: i32, %arg1: memref<1000x128xf32, #tpu.memory_space<vmem>>, %arg2: memref<1000x128xf32, #tpu.memory_space<vmem>>, %arg3: memref<1000x16xf32, #tpu.memory_space<vmem>>, %arg4: memref<1000x16xf32, #tpu.memory_space<vmem>>, %arg5: memref<1000x128xf32, #tpu.memory_space<vmem>>, %arg6: memref<128x256xf32, #tpu.memory_space<vmem>>, %arg7: memref<1x256xf32, #tpu.memory_space<vmem>>, %arg8: memref<128x256xf32, #tpu.memory_space<vmem>>, %arg9: memref<256x256xf32, #tpu.memory_space<vmem>>, %arg10: memref<1x256xf32, #tpu.memory_space<vmem>>, %arg11: memref<1000x256xf32, #tpu.memory_space<vmem>>, %arg12: memref<1000x128xf32, #tpu.memory_space<vmem>>, %arg13: memref<1000x128xf32, #tpu.memory_space<vmem>>) attributes {dimension_semantics = [#tpu.dimension_semantics<arbitrary>], iteration_bounds = array<i64: 10>, scalar_prefetch = 0 : i64, scratch_operands = 0 : i64, tpu.core_type = #tpu.core_type<tc>, window_params = [{transform_indices = @transform_0, window_bounds = array<i64: 1000, 128>}, {transform_indices = @transform_1, window_bounds = array<i64: 1000, 128>}, {transform_indices = @transform_2, window_bounds = array<i64: 1000, 16>}, {transform_indices = @transform_3, window_bounds = array<i64: 1000, 16>}, {transform_indices = @transform_4, window_bounds = array<i64: 1000, 128>}, {pipeline_mode = #tpu.pipeline_mode<synchronous>, transform_indices = @transform_5, window_bounds = array<i64: 128, 256>}, {pipeline_mode = #tpu.pipeline_mode<synchronous>, transform_indices = @transform_6, window_bounds = array<i64: 1, 256>}, {pipeline_mode = #tpu.pipeline_mode<synchronous>, transform_indices = @transform_7, window_bounds = array<i64: 128, 256>}, {pipeline_mode = #tpu.pipeline_mode<synchronous>, transform_indices = @transform_8, window_bounds = array<i64: 256, 256>}, {pipeline_mode = #tpu.pipeline_mode<synchronous>, transform_indices = @transform_9, window_bounds = array<i64: 1, 256>}, {transform_indices = @transform_10, window_bounds = array<i64: 1000, 256>}, {transform_indices = @transform_11, window_bounds = array<i64: 1000, 128>}, {transform_indices = @transform_12, window_bounds = array<i64: 1000, 128>}]} {
    %get3A = arith.constant 0 : index
    %get3A_0 = arith.constant 0 : index
    %get3A_1 = vector.load %arg3[%get3A, %get3A_0] : memref<1000x16xf32, #tpu.memory_space<vmem>>, vector<1000x1xf32>
    %get3A_2 = arith.constant 0 : index
    %get3A_3 = arith.constant 0 : index
    %get3A_4 = vector.load %arg4[%get3A_2, %get3A_3] : memref<1000x16xf32, #tpu.memory_space<vmem>>, vector<1000x1xf32>
    %add3A = arith.addf %get3A_1, %get3A_4 : vector<1000x1xf32>
    %max3A = arith.constant 1.000000e+00 : f32
    %max3A_5 = vector.broadcast %max3A : f32 to vector<1000x1xf32>
    %max3A_6 = arith.maximumf %add3A, %max3A_5 : vector<1000x1xf32>
    %div3A = arith.constant 1.000000e+00 : f32
    %div3A_7 = vector.broadcast %div3A : f32 to vector<1000x1xf32>
    %div3A_8 = arith.divf %div3A_7, %max3A_6 : vector<1000x1xf32>
    %get3A_9 = arith.constant 0 : index
    %get3A_10 = arith.constant 0 : index
    %get3A_11 = vector.load %arg6[%get3A_9, %get3A_10] : memref<128x256xf32, #tpu.memory_space<vmem>>, vector<128x256xf32>
    %get3A_12 = arith.constant 0 : index
    %get3A_13 = arith.constant 0 : index
    %get3A_14 = vector.load %arg1[%get3A_12, %get3A_13] : memref<1000x128xf32, #tpu.memory_space<vmem>>, vector<1000x128xf32>
    %get3A_15 = arith.constant 0 : index
    %get3A_16 = arith.constant 0 : index
    %get3A_17 = vector.load %arg2[%get3A_15, %get3A_16] : memref<1000x128xf32, #tpu.memory_space<vmem>>, vector<1000x128xf32>
    %add3A_18 = arith.addf %get3A_14, %get3A_17 : vector<1000x128xf32>
    %mul3A = vector.broadcast %div3A_8 : vector<1000x1xf32> to vector<1000x128xf32>
    %mul3A_19 = arith.mulf %add3A_18, %mul3A : vector<1000x128xf32>
    %dot_general3A = arith.constant dense<0.000000e+00> : vector<1000x256xf32>
    %dot_general3A_20 = tpu.matmul %mul3A_19, %get3A_11, %dot_general3A {dimension_numbers = #tpu.dot_dimension_numbers<[1], [0], [0], [1], [0, 0, 1, 1], [], []>, transpose_lhs_hint = false} : vector<1000x128xf32>, vector<128x256xf32>, vector<1000x256xf32> -> vector<1000x256xf32>
    %get3A_21 = arith.constant 0 : index
    %get3A_22 = arith.constant 0 : index
    %get3A_23 = vector.load %arg5[%get3A_21, %get3A_22] : memref<1000x128xf32, #tpu.memory_space<vmem>>, vector<1000x128xf32>
    %get3A_24 = arith.constant 0 : index
    %get3A_25 = arith.constant 0 : index
    %get3A_26 = vector.load %arg8[%get3A_24, %get3A_25] : memref<128x256xf32, #tpu.memory_space<vmem>>, vector<128x256xf32>
    %dot_general3A_27 = arith.constant dense<0.000000e+00> : vector<1000x256xf32>
    %dot_general3A_28 = tpu.matmul %get3A_23, %get3A_26, %dot_general3A_27 {dimension_numbers = #tpu.dot_dimension_numbers<[1], [0], [0], [1], [0, 0, 1, 1], [], []>, transpose_lhs_hint = false} : vector<1000x128xf32>, vector<128x256xf32>, vector<1000x256xf32> -> vector<1000x256xf32>
    %add3A_29 = arith.addf %dot_general3A_20, %dot_general3A_28 : vector<1000x256xf32>
    %get3A_30 = arith.constant 0 : index
    %get3A_31 = arith.constant 0 : index
    %get3A_32 = vector.load %arg7[%get3A_30, %get3A_31] : memref<1x256xf32, #tpu.memory_space<vmem>>, vector<1x256xf32>
    %add3A_33 = vector.broadcast %get3A_32 : vector<1x256xf32> to vector<1000x256xf32>
    %add3A_34 = arith.addf %add3A_29, %add3A_33 : vector<1000x256xf32>
    %mul3A_35 = arith.mulf %add3A_34, %add3A_34 : vector<1000x256xf32>
    %reduce_sum3A = arith.constant dense<0.000000e+00> : vector<1000xf32>
    %reduce_sum3A_36 = vector.multi_reduction <add>, %mul3A_35, %reduce_sum3A [1] : vector<1000x256xf32> to vector<1000xf32>
    %broadcast_in_dim3A = vector.shape_cast %reduce_sum3A_36 : vector<1000xf32> to vector<1000x1xf32>
    %sqrt3A = math.sqrt %broadcast_in_dim3A : vector<1000x1xf32>
    %max3A_37 = arith.constant 9.99999996E-13 : f32
    %max3A_38 = vector.broadcast %max3A_37 : f32 to vector<1000x1xf32>
    %max3A_39 = arith.maximumf %sqrt3A, %max3A_38 : vector<1000x1xf32>
    %div3A_40 = vector.broadcast %max3A_39 : vector<1000x1xf32> to vector<1000x256xf32>
    %div3A_41 = arith.divf %add3A_34, %div3A_40 : vector<1000x256xf32>
    %logistic3A = arith.negf %div3A_41 : vector<1000x256xf32>
    %logistic3A_42 = math.exp %logistic3A : vector<1000x256xf32>
    %logistic3A_43 = arith.constant 1.000000e+00 : f32
    %logistic3A_44 = vector.broadcast %logistic3A_43 : f32 to vector<1000x256xf32>
    %logistic3A_45 = arith.addf %logistic3A_44, %logistic3A_42 : vector<1000x256xf32>
    %logistic3A_46 = arith.divf %logistic3A_44, %logistic3A_45 : vector<1000x256xf32>
    %mul3A_47 = arith.mulf %div3A_41, %logistic3A_46 : vector<1000x256xf32>
    %swap3A = arith.constant 0 : index
    %swap3A_48 = arith.constant 0 : index
    %swap3A_49 = vector.load %arg11[%swap3A, %swap3A_48] : memref<1000x256xf32, #tpu.memory_space<vmem>>, vector<1000x256xf32>
    tpu.vector_store %arg11[%swap3A, %swap3A_48], %mul3A_47 {strides = array<i32>} : memref<1000x256xf32, #tpu.memory_space<vmem>>, vector<1000x256xf32>,
    %get3A_50 = arith.constant 0 : index
    %get3A_51 = arith.constant 0 : index
    %get3A_52 = vector.load %arg9[%get3A_50, %get3A_51] : memref<256x256xf32, #tpu.memory_space<vmem>>, vector<256x256xf32>
    %dot_general3A_53 = arith.constant dense<0.000000e+00> : vector<1000x256xf32>
    %dot_general3A_54 = tpu.matmul %mul3A_47, %get3A_52, %dot_general3A_53 {dimension_numbers = #tpu.dot_dimension_numbers<[1], [0], [0], [1], [0, 0, 1, 1], [], []>, transpose_lhs_hint = false} : vector<1000x256xf32>, vector<256x256xf32>, vector<1000x256xf32> -> vector<1000x256xf32>
    %get3A_55 = arith.constant 0 : index
    %get3A_56 = arith.constant 0 : index
    %get3A_57 = vector.load %arg10[%get3A_55, %get3A_56] : memref<1x256xf32, #tpu.memory_space<vmem>>, vector<1x256xf32>
    %add3A_58 = vector.broadcast %get3A_57 : vector<1x256xf32> to vector<1000x256xf32>
    %add3A_59 = arith.addf %dot_general3A_54, %add3A_58 : vector<1000x256xf32>
    %max3A_60 = arith.constant 0.000000e+00 : f32
    %max3A_61 = vector.broadcast %max3A_60 : f32 to vector<1000x256xf32>
    %max3A_62 = arith.maximumf %add3A_59, %max3A_61 : vector<1000x256xf32>
    %slice3A = vector.extract_strided_slice %max3A_62 {offsets = [0, 0], sizes = [1000, 128], strides = [1, 1]} : vector<1000x256xf32> to vector<1000x128xf32>
    %swap3A_63 = arith.constant 0 : index
    %swap3A_64 = arith.constant 0 : index
    %swap3A_65 = vector.load %arg12[%swap3A_63, %swap3A_64] : memref<1000x128xf32, #tpu.memory_space<vmem>>, vector<1000x128xf32>
    tpu.vector_store %arg12[%swap3A_63, %swap3A_64], %slice3A {strides = array<i32>} : memref<1000x128xf32, #tpu.memory_space<vmem>>, vector<1000x128xf32>,
    %slice3A_66 = vector.extract_strided_slice %max3A_62 {offsets = [0, 128], sizes = [1000, 128], strides = [1, 1]} : vector<1000x256xf32> to vector<1000x128xf32>
    %swap3A_67 = arith.constant 0 : index
    %swap3A_68 = arith.constant 0 : index
    %swap3A_69 = vector.load %arg13[%swap3A_67, %swap3A_68] : memref<1000x128xf32, #tpu.memory_space<vmem>>, vector<1000x128xf32>
    tpu.vector_store %arg13[%swap3A_67, %swap3A_68], %slice3A_66 {strides = array<i32>} : memref<1000x128xf32, #tpu.memory_space<vmem>>, vector<1000x128xf32>,
    return
  }
  func.func @transform_0(%arg0: i32) -> (i32, i32) {
    %c0_i32 = arith.constant 0 : i32
    %c0_i32_0 = arith.constant 0 : i32
    return %arg0, %c0_i32 : i32, i32
  }
  func.func @transform_1(%arg0: i32) -> (i32, i32) {
    %c0_i32 = arith.constant 0 : i32
    %c0_i32_0 = arith.constant 0 : i32
    return %arg0, %c0_i32 : i32, i32
  }
  func.func @transform_2(%arg0: i32) -> (i32, i32) {
    %c0_i32 = arith.constant 0 : i32
    %c0_i32_0 = arith.constant 0 : i32
    return %arg0, %c0_i32 : i32, i32
  }
  func.func @transform_3(%arg0: i32) -> (i32, i32) {
    %c0_i32 = arith.constant 0 : i32
    %c0_i32_0 = arith.constant 0 : i32
    return %arg0, %c0_i32 : i32, i32
  }
  func.func @transform_4(%arg0: i32) -> (i32, i32) {
    %c0_i32 = arith.constant 0 : i32
    %c0_i32_0 = arith.constant 0 : i32
    return %arg0, %c0_i32 : i32, i32
  }
  func.func @transform_5(%arg0: i32) -> (i32, i32) {
    %c0_i32 = arith.constant 0 : i32
    %c0_i32_0 = arith.constant 0 : i32
    %c0_i32_1 = arith.constant 0 : i32
    return %c0_i32, %c0_i32_0 : i32, i32
  }
  func.func @transform_6(%arg0: i32) -> (i32, i32) {
    %c0_i32 = arith.constant 0 : i32
    %c0_i32_0 = arith.constant 0 : i32
    %c0_i32_1 = arith.constant 0 : i32
    return %c0_i32, %c0_i32_0 : i32, i32
  }
  func.func @transform_7(%arg0: i32) -> (i32, i32) {
    %c0_i32 = arith.constant 0 : i32
    %c0_i32_0 = arith.constant 0 : i32
    %c0_i32_1 = arith.constant 0 : i32
    return %c0_i32, %c0_i32_0 : i32, i32
  }
  func.func @transform_8(%arg0: i32) -> (i32, i32) {
    %c0_i32 = arith.constant 0 : i32
    %c0_i32_0 = arith.constant 0 : i32
    %c0_i32_1 = arith.constant 0 : i32
    return %c0_i32, %c0_i32_0 : i32, i32
  }
  func.func @transform_9(%arg0: i32) -> (i32, i32) {
    %c0_i32 = arith.constant 0 : i32
    %c0_i32_0 = arith.constant 0 : i32
    %c0_i32_1 = arith.constant 0 : i32
    return %c0_i32, %c0_i32_0 : i32, i32
  }
  func.func @transform_10(%arg0: i32) -> (i32, i32) {
    %c0_i32 = arith.constant 0 : i32
    %c0_i32_0 = arith.constant 0 : i32
    return %arg0, %c0_i32 : i32, i32
  }
  func.func @transform_11(%arg0: i32) -> (i32, i32) {
    %c0_i32 = arith.constant 0 : i32
    %c0_i32_0 = arith.constant 0 : i32
    return %arg0, %c0_i32 : i32, i32
  }
  func.func @transform_12(%arg0: i32) -> (i32, i32) {
    %c0_i32 = arith.constant 0 : i32
    %c0_i32_0 = arith.constant 0 : i32
    return %arg0, %c0_i32 : i32, i32
  }
}

module attributes {stable_mosaic.version = 14 : i64} {
  func.func @_comb_kern(%arg0: i32, %arg1: memref<1000x128xf32, #tpu.memory_space<vmem>>, %arg2: memref<1000x128xf32, #tpu.memory_space<vmem>>, %arg3: memref<1000x16xf32, #tpu.memory_space<vmem>>, %arg4: memref<1000x16xf32, #tpu.memory_space<vmem>>, %arg5: memref<1000x256xf32, #tpu.memory_space<vmem>>, %arg6: memref<256x256xf32, #tpu.memory_space<vmem>>, %arg7: memref<1x256xf32, #tpu.memory_space<vmem>>, %arg8: memref<256x256xf32, #tpu.memory_space<vmem>>, %arg9: memref<256x256xf32, #tpu.memory_space<vmem>>, %arg10: memref<1x256xf32, #tpu.memory_space<vmem>>, %arg11: memref<1000x256xf32, #tpu.memory_space<vmem>>, %arg12: memref<1000x128xf32, #tpu.memory_space<vmem>>, %arg13: memref<1000x128xf32, #tpu.memory_space<vmem>>) attributes {dimension_semantics = [#tpu.dimension_semantics<arbitrary>], iteration_bounds = array<i64: 10>, scalar_prefetch = 0 : i64, scratch_operands = 0 : i64, tpu.core_type = #tpu.core_type<tc>, window_params = [{transform_indices = @transform_0, window_bounds = array<i64: 1000, 128>}, {transform_indices = @transform_1, window_bounds = array<i64: 1000, 128>}, {transform_indices = @transform_2, window_bounds = array<i64: 1000, 16>}, {transform_indices = @transform_3, window_bounds = array<i64: 1000, 16>}, {transform_indices = @transform_4, window_bounds = array<i64: 1000, 256>}, {pipeline_mode = #tpu.pipeline_mode<synchronous>, transform_indices = @transform_5, window_bounds = array<i64: 256, 256>}, {pipeline_mode = #tpu.pipeline_mode<synchronous>, transform_indices = @transform_6, window_bounds = array<i64: 1, 256>}, {pipeline_mode = #tpu.pipeline_mode<synchronous>, transform_indices = @transform_7, window_bounds = array<i64: 256, 256>}, {pipeline_mode = #tpu.pipeline_mode<synchronous>, transform_indices = @transform_8, window_bounds = array<i64: 256, 256>}, {pipeline_mode = #tpu.pipeline_mode<synchronous>, transform_indices = @transform_9, window_bounds = array<i64: 1, 256>}, {transform_indices = @transform_10, window_bounds = array<i64: 1000, 256>}, {transform_indices = @transform_11, window_bounds = array<i64: 1000, 128>}, {transform_indices = @transform_12, window_bounds = array<i64: 1000, 128>}]} {
    %get3A = arith.constant 0 : index
    %get3A_0 = arith.constant 0 : index
    %get3A_1 = vector.load %arg3[%get3A, %get3A_0] : memref<1000x16xf32, #tpu.memory_space<vmem>>, vector<1000x1xf32>
    %get3A_2 = arith.constant 0 : index
    %get3A_3 = arith.constant 0 : index
    %get3A_4 = vector.load %arg4[%get3A_2, %get3A_3] : memref<1000x16xf32, #tpu.memory_space<vmem>>, vector<1000x1xf32>
    %add3A = arith.addf %get3A_1, %get3A_4 : vector<1000x1xf32>
    %max3A = arith.constant 1.000000e+00 : f32
    %max3A_5 = vector.broadcast %max3A : f32 to vector<1000x1xf32>
    %max3A_6 = arith.maximumf %add3A, %max3A_5 : vector<1000x1xf32>
    %div3A = arith.constant 1.000000e+00 : f32
    %div3A_7 = vector.broadcast %div3A : f32 to vector<1000x1xf32>
    %div3A_8 = arith.divf %div3A_7, %max3A_6 : vector<1000x1xf32>
    %get3A_9 = arith.constant 0 : index
    %get3A_10 = arith.constant 0 : index
    %get3A_11 = vector.load %arg6[%get3A_9, %get3A_10] : memref<256x256xf32, #tpu.memory_space<vmem>>, vector<256x256xf32>
    %get3A_12 = arith.constant 0 : index
    %get3A_13 = arith.constant 0 : index
    %get3A_14 = vector.load %arg1[%get3A_12, %get3A_13] : memref<1000x128xf32, #tpu.memory_space<vmem>>, vector<1000x128xf32>
    %mul3A = vector.broadcast %div3A_8 : vector<1000x1xf32> to vector<1000x128xf32>
    %mul3A_15 = arith.mulf %get3A_14, %mul3A : vector<1000x128xf32>
    %slice3A = vector.extract_strided_slice %get3A_11 {offsets = [0, 0], sizes = [128, 256], strides = [1, 1]} : vector<256x256xf32> to vector<128x256xf32>
    %dot_general3A = arith.constant dense<0.000000e+00> : vector<1000x256xf32>
    %dot_general3A_16 = tpu.matmul %mul3A_15, %slice3A, %dot_general3A {dimension_numbers = #tpu.dot_dimension_numbers<[1], [0], [0], [1], [0, 0, 1, 1], [], []>, transpose_lhs_hint = false} : vector<1000x128xf32>, vector<128x256xf32>, vector<1000x256xf32> -> vector<1000x256xf32>
    %get3A_17 = arith.constant 0 : index
    %get3A_18 = arith.constant 0 : index
    %get3A_19 = vector.load %arg2[%get3A_17, %get3A_18] : memref<1000x128xf32, #tpu.memory_space<vmem>>, vector<1000x128xf32>
    %mul3A_20 = vector.broadcast %div3A_8 : vector<1000x1xf32> to vector<1000x128xf32>
    %mul3A_21 = arith.mulf %get3A_19, %mul3A_20 : vector<1000x128xf32>
    %slice3A_22 = vector.extract_strided_slice %get3A_11 {offsets = [128, 0], sizes = [128, 256], strides = [1, 1]} : vector<256x256xf32> to vector<128x256xf32>
    %dot_general3A_23 = arith.constant dense<0.000000e+00> : vector<1000x256xf32>
    %dot_general3A_24 = tpu.matmul %mul3A_21, %slice3A_22, %dot_general3A_23 {dimension_numbers = #tpu.dot_dimension_numbers<[1], [0], [0], [1], [0, 0, 1, 1], [], []>, transpose_lhs_hint = false} : vector<1000x128xf32>, vector<128x256xf32>, vector<1000x256xf32> -> vector<1000x256xf32>
    %add3A_25 = arith.addf %dot_general3A_16, %dot_general3A_24 : vector<1000x256xf32>
    %get3A_26 = arith.constant 0 : index
    %get3A_27 = arith.constant 0 : index
    %get3A_28 = vector.load %arg5[%get3A_26, %get3A_27] : memref<1000x256xf32, #tpu.memory_space<vmem>>, vector<1000x256xf32>
    %get3A_29 = arith.constant 0 : index
    %get3A_30 = arith.constant 0 : index
    %get3A_31 = vector.load %arg8[%get3A_29, %get3A_30] : memref<256x256xf32, #tpu.memory_space<vmem>>, vector<256x256xf32>
    %dot_general3A_32 = arith.constant dense<0.000000e+00> : vector<1000x256xf32>
    %dot_general3A_33 = tpu.matmul %get3A_28, %get3A_31, %dot_general3A_32 {dimension_numbers = #tpu.dot_dimension_numbers<[1], [0], [0], [1], [0, 0, 1, 1], [], []>, transpose_lhs_hint = false} : vector<1000x256xf32>, vector<256x256xf32>, vector<1000x256xf32> -> vector<1000x256xf32>
    %add3A_34 = arith.addf %add3A_25, %dot_general3A_33 : vector<1000x256xf32>
    %get3A_35 = arith.constant 0 : index
    %get3A_36 = arith.constant 0 : index
    %get3A_37 = vector.load %arg7[%get3A_35, %get3A_36] : memref<1x256xf32, #tpu.memory_space<vmem>>, vector<1x256xf32>
    %add3A_38 = vector.broadcast %get3A_37 : vector<1x256xf32> to vector<1000x256xf32>
    %add3A_39 = arith.addf %add3A_34, %add3A_38 : vector<1000x256xf32>
    %mul3A_40 = arith.mulf %add3A_39, %add3A_39 : vector<1000x256xf32>
    %reduce_sum3A = arith.constant dense<0.000000e+00> : vector<1000xf32>
    %reduce_sum3A_41 = vector.multi_reduction <add>, %mul3A_40, %reduce_sum3A [1] : vector<1000x256xf32> to vector<1000xf32>
    %broadcast_in_dim3A = vector.shape_cast %reduce_sum3A_41 : vector<1000xf32> to vector<1000x1xf32>
    %sqrt3A = math.sqrt %broadcast_in_dim3A : vector<1000x1xf32>
    %max3A_42 = arith.constant 9.99999996E-13 : f32
    %max3A_43 = vector.broadcast %max3A_42 : f32 to vector<1000x1xf32>
    %max3A_44 = arith.maximumf %sqrt3A, %max3A_43 : vector<1000x1xf32>
    %div3A_45 = vector.broadcast %max3A_44 : vector<1000x1xf32> to vector<1000x256xf32>
    %div3A_46 = arith.divf %add3A_39, %div3A_45 : vector<1000x256xf32>
    %logistic3A = arith.negf %div3A_46 : vector<1000x256xf32>
    %logistic3A_47 = math.exp %logistic3A : vector<1000x256xf32>
    %logistic3A_48 = arith.constant 1.000000e+00 : f32
    %logistic3A_49 = vector.broadcast %logistic3A_48 : f32 to vector<1000x256xf32>
    %logistic3A_50 = arith.addf %logistic3A_49, %logistic3A_47 : vector<1000x256xf32>
    %logistic3A_51 = arith.divf %logistic3A_49, %logistic3A_50 : vector<1000x256xf32>
    %mul3A_52 = arith.mulf %div3A_46, %logistic3A_51 : vector<1000x256xf32>
    %swap3A = arith.constant 0 : index
    %swap3A_53 = arith.constant 0 : index
    %swap3A_54 = vector.load %arg11[%swap3A, %swap3A_53] : memref<1000x256xf32, #tpu.memory_space<vmem>>, vector<1000x256xf32>
    tpu.vector_store %arg11[%swap3A, %swap3A_53], %mul3A_52 {strides = array<i32>} : memref<1000x256xf32, #tpu.memory_space<vmem>>, vector<1000x256xf32>,
    %get3A_55 = arith.constant 0 : index
    %get3A_56 = arith.constant 0 : index
    %get3A_57 = vector.load %arg9[%get3A_55, %get3A_56] : memref<256x256xf32, #tpu.memory_space<vmem>>, vector<256x256xf32>
    %dot_general3A_58 = arith.constant dense<0.000000e+00> : vector<1000x256xf32>
    %dot_general3A_59 = tpu.matmul %mul3A_52, %get3A_57, %dot_general3A_58 {dimension_numbers = #tpu.dot_dimension_numbers<[1], [0], [0], [1], [0, 0, 1, 1], [], []>, transpose_lhs_hint = false} : vector<1000x256xf32>, vector<256x256xf32>, vector<1000x256xf32> -> vector<1000x256xf32>
    %get3A_60 = arith.constant 0 : index
    %get3A_61 = arith.constant 0 : index
    %get3A_62 = vector.load %arg10[%get3A_60, %get3A_61] : memref<1x256xf32, #tpu.memory_space<vmem>>, vector<1x256xf32>
    %add3A_63 = vector.broadcast %get3A_62 : vector<1x256xf32> to vector<1000x256xf32>
    %add3A_64 = arith.addf %dot_general3A_59, %add3A_63 : vector<1000x256xf32>
    %max3A_65 = arith.constant 0.000000e+00 : f32
    %max3A_66 = vector.broadcast %max3A_65 : f32 to vector<1000x256xf32>
    %max3A_67 = arith.maximumf %add3A_64, %max3A_66 : vector<1000x256xf32>
    %slice3A_68 = vector.extract_strided_slice %max3A_67 {offsets = [0, 0], sizes = [1000, 128], strides = [1, 1]} : vector<1000x256xf32> to vector<1000x128xf32>
    %swap3A_69 = arith.constant 0 : index
    %swap3A_70 = arith.constant 0 : index
    %swap3A_71 = vector.load %arg12[%swap3A_69, %swap3A_70] : memref<1000x128xf32, #tpu.memory_space<vmem>>, vector<1000x128xf32>
    tpu.vector_store %arg12[%swap3A_69, %swap3A_70], %slice3A_68 {strides = array<i32>} : memref<1000x128xf32, #tpu.memory_space<vmem>>, vector<1000x128xf32>,
    %slice3A_72 = vector.extract_strided_slice %max3A_67 {offsets = [0, 128], sizes = [1000, 128], strides = [1, 1]} : vector<1000x256xf32> to vector<1000x128xf32>
    %swap3A_73 = arith.constant 0 : index
    %swap3A_74 = arith.constant 0 : index
    %swap3A_75 = vector.load %arg13[%swap3A_73, %swap3A_74] : memref<1000x128xf32, #tpu.memory_space<vmem>>, vector<1000x128xf32>
    tpu.vector_store %arg13[%swap3A_73, %swap3A_74], %slice3A_72 {strides = array<i32>} : memref<1000x128xf32, #tpu.memory_space<vmem>>, vector<1000x128xf32>,
    return
  }
  func.func @transform_0(%arg0: i32) -> (i32, i32) {
    %c0_i32 = arith.constant 0 : i32
    %c0_i32_0 = arith.constant 0 : i32
    return %arg0, %c0_i32 : i32, i32
  }
  func.func @transform_1(%arg0: i32) -> (i32, i32) {
    %c0_i32 = arith.constant 0 : i32
    %c0_i32_0 = arith.constant 0 : i32
    return %arg0, %c0_i32 : i32, i32
  }
  func.func @transform_2(%arg0: i32) -> (i32, i32) {
    %c0_i32 = arith.constant 0 : i32
    %c0_i32_0 = arith.constant 0 : i32
    return %arg0, %c0_i32 : i32, i32
  }
  func.func @transform_3(%arg0: i32) -> (i32, i32) {
    %c0_i32 = arith.constant 0 : i32
    %c0_i32_0 = arith.constant 0 : i32
    return %arg0, %c0_i32 : i32, i32
  }
  func.func @transform_4(%arg0: i32) -> (i32, i32) {
    %c0_i32 = arith.constant 0 : i32
    %c0_i32_0 = arith.constant 0 : i32
    return %arg0, %c0_i32 : i32, i32
  }
  func.func @transform_5(%arg0: i32) -> (i32, i32) {
    %c0_i32 = arith.constant 0 : i32
    %c0_i32_0 = arith.constant 0 : i32
    %c0_i32_1 = arith.constant 0 : i32
    return %c0_i32, %c0_i32_0 : i32, i32
  }
  func.func @transform_6(%arg0: i32) -> (i32, i32) {
    %c0_i32 = arith.constant 0 : i32
    %c0_i32_0 = arith.constant 0 : i32
    %c0_i32_1 = arith.constant 0 : i32
    return %c0_i32, %c0_i32_0 : i32, i32
  }
  func.func @transform_7(%arg0: i32) -> (i32, i32) {
    %c0_i32 = arith.constant 0 : i32
    %c0_i32_0 = arith.constant 0 : i32
    %c0_i32_1 = arith.constant 0 : i32
    return %c0_i32, %c0_i32_0 : i32, i32
  }
  func.func @transform_8(%arg0: i32) -> (i32, i32) {
    %c0_i32 = arith.constant 0 : i32
    %c0_i32_0 = arith.constant 0 : i32
    %c0_i32_1 = arith.constant 0 : i32
    return %c0_i32, %c0_i32_0 : i32, i32
  }
  func.func @transform_9(%arg0: i32) -> (i32, i32) {
    %c0_i32 = arith.constant 0 : i32
    %c0_i32_0 = arith.constant 0 : i32
    %c0_i32_1 = arith.constant 0 : i32
    return %c0_i32, %c0_i32_0 : i32, i32
  }
  func.func @transform_10(%arg0: i32) -> (i32, i32) {
    %c0_i32 = arith.constant 0 : i32
    %c0_i32_0 = arith.constant 0 : i32
    return %arg0, %c0_i32 : i32, i32
  }
  func.func @transform_11(%arg0: i32) -> (i32, i32) {
    %c0_i32 = arith.constant 0 : i32
    %c0_i32_0 = arith.constant 0 : i32
    return %arg0, %c0_i32 : i32, i32
  }
  func.func @transform_12(%arg0: i32) -> (i32, i32) {
    %c0_i32 = arith.constant 0 : i32
    %c0_i32_0 = arith.constant 0 : i32
    return %arg0, %c0_i32 : i32, i32
  }
}

module attributes {stable_mosaic.version = 14 : i64} {
  func.func @_final_kern(%arg0: i32, %arg1: memref<1000x128xf32, #tpu.memory_space<vmem>>, %arg2: memref<1000x128xf32, #tpu.memory_space<vmem>>, %arg3: memref<1000x16xf32, #tpu.memory_space<vmem>>, %arg4: memref<1000x16xf32, #tpu.memory_space<vmem>>, %arg5: memref<1000x256xf32, #tpu.memory_space<vmem>>, %arg6: memref<256x256xf32, #tpu.memory_space<vmem>>, %arg7: memref<1x256xf32, #tpu.memory_space<vmem>>, %arg8: memref<256x256xf32, #tpu.memory_space<vmem>>, %arg9: memref<1x256xf32, #tpu.memory_space<vmem>>, %arg10: memref<1x256xf32, #tpu.memory_space<vmem>>, %arg11: memref<1000x256xf32, #tpu.memory_space<vmem>>) attributes {dimension_semantics = [#tpu.dimension_semantics<arbitrary>], iteration_bounds = array<i64: 10>, scalar_prefetch = 0 : i64, scratch_operands = 0 : i64, tpu.core_type = #tpu.core_type<tc>, window_params = [{transform_indices = @transform_0, window_bounds = array<i64: 1000, 128>}, {transform_indices = @transform_1, window_bounds = array<i64: 1000, 128>}, {transform_indices = @transform_2, window_bounds = array<i64: 1000, 16>}, {transform_indices = @transform_3, window_bounds = array<i64: 1000, 16>}, {transform_indices = @transform_4, window_bounds = array<i64: 1000, 256>}, {pipeline_mode = #tpu.pipeline_mode<synchronous>, transform_indices = @transform_5, window_bounds = array<i64: 256, 256>}, {pipeline_mode = #tpu.pipeline_mode<synchronous>, transform_indices = @transform_6, window_bounds = array<i64: 1, 256>}, {pipeline_mode = #tpu.pipeline_mode<synchronous>, transform_indices = @transform_7, window_bounds = array<i64: 256, 256>}, {pipeline_mode = #tpu.pipeline_mode<synchronous>, transform_indices = @transform_8, window_bounds = array<i64: 1, 256>}, {pipeline_mode = #tpu.pipeline_mode<synchronous>, transform_indices = @transform_9, window_bounds = array<i64: 1, 256>}, {transform_indices = @transform_10, window_bounds = array<i64: 1000, 256>}]} {
    %get3A = arith.constant 0 : index
    %get3A_0 = arith.constant 0 : index
    %get3A_1 = vector.load %arg3[%get3A, %get3A_0] : memref<1000x16xf32, #tpu.memory_space<vmem>>, vector<1000x1xf32>
    %get3A_2 = arith.constant 0 : index
    %get3A_3 = arith.constant 0 : index
    %get3A_4 = vector.load %arg4[%get3A_2, %get3A_3] : memref<1000x16xf32, #tpu.memory_space<vmem>>, vector<1000x1xf32>
    %add3A = arith.addf %get3A_1, %get3A_4 : vector<1000x1xf32>
    %max3A = arith.constant 1.000000e+00 : f32
    %max3A_5 = vector.broadcast %max3A : f32 to vector<1000x1xf32>
    %max3A_6 = arith.maximumf %add3A, %max3A_5 : vector<1000x1xf32>
    %div3A = arith.constant 1.000000e+00 : f32
    %div3A_7 = vector.broadcast %div3A : f32 to vector<1000x1xf32>
    %div3A_8 = arith.divf %div3A_7, %max3A_6 : vector<1000x1xf32>
    %get3A_9 = arith.constant 0 : index
    %get3A_10 = arith.constant 0 : index
    %get3A_11 = vector.load %arg6[%get3A_9, %get3A_10] : memref<256x256xf32, #tpu.memory_space<vmem>>, vector<256x256xf32>
    %get3A_12 = arith.constant 0 : index
    %get3A_13 = arith.constant 0 : index
    %get3A_14 = vector.load %arg1[%get3A_12, %get3A_13] : memref<1000x128xf32, #tpu.memory_space<vmem>>, vector<1000x128xf32>
    %mul3A = vector.broadcast %div3A_8 : vector<1000x1xf32> to vector<1000x128xf32>
    %mul3A_15 = arith.mulf %get3A_14, %mul3A : vector<1000x128xf32>
    %slice3A = vector.extract_strided_slice %get3A_11 {offsets = [0, 0], sizes = [128, 256], strides = [1, 1]} : vector<256x256xf32> to vector<128x256xf32>
    %dot_general3A = arith.constant dense<0.000000e+00> : vector<1000x256xf32>
    %dot_general3A_16 = tpu.matmul %mul3A_15, %slice3A, %dot_general3A {dimension_numbers = #tpu.dot_dimension_numbers<[1], [0], [0], [1], [0, 0, 1, 1], [], []>, transpose_lhs_hint = false} : vector<1000x128xf32>, vector<128x256xf32>, vector<1000x256xf32> -> vector<1000x256xf32>
    %get3A_17 = arith.constant 0 : index
    %get3A_18 = arith.constant 0 : index
    %get3A_19 = vector.load %arg2[%get3A_17, %get3A_18] : memref<1000x128xf32, #tpu.memory_space<vmem>>, vector<1000x128xf32>
    %mul3A_20 = vector.broadcast %div3A_8 : vector<1000x1xf32> to vector<1000x128xf32>
    %mul3A_21 = arith.mulf %get3A_19, %mul3A_20 : vector<1000x128xf32>
    %slice3A_22 = vector.extract_strided_slice %get3A_11 {offsets = [128, 0], sizes = [128, 256], strides = [1, 1]} : vector<256x256xf32> to vector<128x256xf32>
    %dot_general3A_23 = arith.constant dense<0.000000e+00> : vector<1000x256xf32>
    %dot_general3A_24 = tpu.matmul %mul3A_21, %slice3A_22, %dot_general3A_23 {dimension_numbers = #tpu.dot_dimension_numbers<[1], [0], [0], [1], [0, 0, 1, 1], [], []>, transpose_lhs_hint = false} : vector<1000x128xf32>, vector<128x256xf32>, vector<1000x256xf32> -> vector<1000x256xf32>
    %add3A_25 = arith.addf %dot_general3A_16, %dot_general3A_24 : vector<1000x256xf32>
    %get3A_26 = arith.constant 0 : index
    %get3A_27 = arith.constant 0 : index
    %get3A_28 = vector.load %arg5[%get3A_26, %get3A_27] : memref<1000x256xf32, #tpu.memory_space<vmem>>, vector<1000x256xf32>
    %get3A_29 = arith.constant 0 : index
    %get3A_30 = arith.constant 0 : index
    %get3A_31 = vector.load %arg8[%get3A_29, %get3A_30] : memref<256x256xf32, #tpu.memory_space<vmem>>, vector<256x256xf32>
    %dot_general3A_32 = arith.constant dense<0.000000e+00> : vector<1000x256xf32>
    %dot_general3A_33 = tpu.matmul %get3A_28, %get3A_31, %dot_general3A_32 {dimension_numbers = #tpu.dot_dimension_numbers<[1], [0], [0], [1], [0, 0, 1, 1], [], []>, transpose_lhs_hint = false} : vector<1000x256xf32>, vector<256x256xf32>, vector<1000x256xf32> -> vector<1000x256xf32>
    %add3A_34 = arith.addf %add3A_25, %dot_general3A_33 : vector<1000x256xf32>
    %get3A_35 = arith.constant 0 : index
    %get3A_36 = arith.constant 0 : index
    %get3A_37 = vector.load %arg7[%get3A_35, %get3A_36] : memref<1x256xf32, #tpu.memory_space<vmem>>, vector<1x256xf32>
    %add3A_38 = vector.broadcast %get3A_37 : vector<1x256xf32> to vector<1000x256xf32>
    %add3A_39 = arith.addf %add3A_34, %add3A_38 : vector<1000x256xf32>
    %mul3A_40 = arith.mulf %add3A_39, %add3A_39 : vector<1000x256xf32>
    %reduce_sum3A = arith.constant dense<0.000000e+00> : vector<1000xf32>
    %reduce_sum3A_41 = vector.multi_reduction <add>, %mul3A_40, %reduce_sum3A [1] : vector<1000x256xf32> to vector<1000xf32>
    %broadcast_in_dim3A = vector.shape_cast %reduce_sum3A_41 : vector<1000xf32> to vector<1000x1xf32>
    %sqrt3A = math.sqrt %broadcast_in_dim3A : vector<1000x1xf32>
    %max3A_42 = arith.constant 9.99999996E-13 : f32
    %max3A_43 = vector.broadcast %max3A_42 : f32 to vector<1000x1xf32>
    %max3A_44 = arith.maximumf %sqrt3A, %max3A_43 : vector<1000x1xf32>
    %div3A_45 = vector.broadcast %max3A_44 : vector<1000x1xf32> to vector<1000x256xf32>
    %div3A_46 = arith.divf %add3A_39, %div3A_45 : vector<1000x256xf32>
    %reduce_sum3A_47 = arith.constant dense<0.000000e+00> : vector<1000xf32>
    %reduce_sum3A_48 = vector.multi_reduction <add>, %div3A_46, %reduce_sum3A_47 [1] : vector<1000x256xf32> to vector<1000xf32>
    %broadcast_in_dim3A_49 = vector.shape_cast %reduce_sum3A_48 : vector<1000xf32> to vector<1000x1xf32>
    %div3A_50 = arith.constant 2.560000e+02 : f32
    %div3A_51 = vector.broadcast %div3A_50 : f32 to vector<1000x1xf32>
    %div3A_52 = arith.divf %broadcast_in_dim3A_49, %div3A_51 : vector<1000x1xf32>
    %sub3A = vector.broadcast %div3A_52 : vector<1000x1xf32> to vector<1000x256xf32>
    %sub3A_53 = arith.subf %div3A_46, %sub3A : vector<1000x256xf32>
    %mul3A_54 = arith.mulf %sub3A_53, %sub3A_53 : vector<1000x256xf32>
    %reduce_sum3A_55 = arith.constant dense<0.000000e+00> : vector<1000xf32>
    %reduce_sum3A_56 = vector.multi_reduction <add>, %mul3A_54, %reduce_sum3A_55 [1] : vector<1000x256xf32> to vector<1000xf32>
    %broadcast_in_dim3A_57 = vector.shape_cast %reduce_sum3A_56 : vector<1000xf32> to vector<1000x1xf32>
    %div3A_58 = arith.constant 2.560000e+02 : f32
    %div3A_59 = vector.broadcast %div3A_58 : f32 to vector<1000x1xf32>
    %div3A_60 = arith.divf %broadcast_in_dim3A_57, %div3A_59 : vector<1000x1xf32>
    %add3A_61 = arith.constant 9.99999974E-6 : f32
    %add3A_62 = vector.broadcast %add3A_61 : f32 to vector<1000x1xf32>
    %add3A_63 = arith.addf %div3A_60, %add3A_62 : vector<1000x1xf32>
    %sqrt3A_64 = math.sqrt %add3A_63 : vector<1000x1xf32>
    %div3A_65 = vector.broadcast %sqrt3A_64 : vector<1000x1xf32> to vector<1000x256xf32>
    %div3A_66 = arith.divf %sub3A_53, %div3A_65 : vector<1000x256xf32>
    %get3A_67 = arith.constant 0 : index
    %get3A_68 = arith.constant 0 : index
    %get3A_69 = vector.load %arg9[%get3A_67, %get3A_68] : memref<1x256xf32, #tpu.memory_space<vmem>>, vector<1x256xf32>
    %mul3A_70 = vector.broadcast %get3A_69 : vector<1x256xf32> to vector<1000x256xf32>
    %mul3A_71 = arith.mulf %div3A_66, %mul3A_70 : vector<1000x256xf32>
    %get3A_72 = arith.constant 0 : index
    %get3A_73 = arith.constant 0 : index
    %get3A_74 = vector.load %arg10[%get3A_72, %get3A_73] : memref<1x256xf32, #tpu.memory_space<vmem>>, vector<1x256xf32>
    %add3A_75 = vector.broadcast %get3A_74 : vector<1x256xf32> to vector<1000x256xf32>
    %add3A_76 = arith.addf %mul3A_71, %add3A_75 : vector<1000x256xf32>
    %swap3A = arith.constant 0 : index
    %swap3A_77 = arith.constant 0 : index
    %swap3A_78 = vector.load %arg11[%swap3A, %swap3A_77] : memref<1000x256xf32, #tpu.memory_space<vmem>>, vector<1000x256xf32>
    tpu.vector_store %arg11[%swap3A, %swap3A_77], %add3A_76 {strides = array<i32>} : memref<1000x256xf32, #tpu.memory_space<vmem>>, vector<1000x256xf32>,
    return
  }
  func.func @transform_0(%arg0: i32) -> (i32, i32) {
    %c0_i32 = arith.constant 0 : i32
    %c0_i32_0 = arith.constant 0 : i32
    return %arg0, %c0_i32 : i32, i32
  }
  func.func @transform_1(%arg0: i32) -> (i32, i32) {
    %c0_i32 = arith.constant 0 : i32
    %c0_i32_0 = arith.constant 0 : i32
    return %arg0, %c0_i32 : i32, i32
  }
  func.func @transform_2(%arg0: i32) -> (i32, i32) {
    %c0_i32 = arith.constant 0 : i32
    %c0_i32_0 = arith.constant 0 : i32
    return %arg0, %c0_i32 : i32, i32
  }
  func.func @transform_3(%arg0: i32) -> (i32, i32) {
    %c0_i32 = arith.constant 0 : i32
    %c0_i32_0 = arith.constant 0 : i32
    return %arg0, %c0_i32 : i32, i32
  }
  func.func @transform_4(%arg0: i32) -> (i32, i32) {
    %c0_i32 = arith.constant 0 : i32
    %c0_i32_0 = arith.constant 0 : i32
    return %arg0, %c0_i32 : i32, i32
  }
  func.func @transform_5(%arg0: i32) -> (i32, i32) {
    %c0_i32 = arith.constant 0 : i32
    %c0_i32_0 = arith.constant 0 : i32
    %c0_i32_1 = arith.constant 0 : i32
    return %c0_i32, %c0_i32_0 : i32, i32
  }
  func.func @transform_6(%arg0: i32) -> (i32, i32) {
    %c0_i32 = arith.constant 0 : i32
    %c0_i32_0 = arith.constant 0 : i32
    %c0_i32_1 = arith.constant 0 : i32
    return %c0_i32, %c0_i32_0 : i32, i32
  }
  func.func @transform_7(%arg0: i32) -> (i32, i32) {
    %c0_i32 = arith.constant 0 : i32
    %c0_i32_0 = arith.constant 0 : i32
    %c0_i32_1 = arith.constant 0 : i32
    return %c0_i32, %c0_i32_0 : i32, i32
  }
  func.func @transform_8(%arg0: i32) -> (i32, i32) {
    %c0_i32 = arith.constant 0 : i32
    %c0_i32_0 = arith.constant 0 : i32
    %c0_i32_1 = arith.constant 0 : i32
    return %c0_i32, %c0_i32_0 : i32, i32
  }
  func.func @transform_9(%arg0: i32) -> (i32, i32) {
    %c0_i32 = arith.constant 0 : i32
    %c0_i32_0 = arith.constant 0 : i32
    %c0_i32_1 = arith.constant 0 : i32
    return %c0_i32, %c0_i32_0 : i32, i32
  }
  func.func @transform_10(%arg0: i32) -> (i32, i32) {
    %c0_i32 = arith.constant 0 : i32
    %c0_i32_0 = arith.constant 0 : i32
    return %arg0, %c0_i32 : i32, i32
  }
}

</mosaic_0001>

<sc_bundles>
// kernel: kernel.10.cloned.1.call-start
scs
__scs_entry_jumppad:
0x0: {  	(pc) =	sbr.rel $0x88, $3  }
0x1: {  	(tag) =	ssettag $0x0;
	lr =	simm.s32 $0x1  }
0x2: {  	[smem:$0x3F8E] =	sst lr;
	_ =	strace $0xD0000000  }
0x3: {  	_ = 	snop  }
0x4: {  	_ = 	snop  }
0x5: {  	_ = 	snop  }
0x6: {  	_ = 	snop  }
0x7: {  	_ = 	snop  }
__scs_overlays_trampoline_lowered:
0x8: {  	[smem:$0x3F9D] =	sst s0  }
0x9: {  	[smem:$0x3F9E] =	sst s1  }
0xa: {  	[smem:$0x3F9F] =	sst s2  }
0xb: {  	[smem:$0x3FA0] =	sst s3  }
0xc: {  	[smem:$0x3FA1] =	sst s4  }
0xd: {  	[smem:$0x3FA2] =	sst s5  }
0xe: {  	[smem:$0x3FA3] =	sst s6  }
0xf: {  	[smem:$0x3FA4] =	sst s7  }
0x10: {  	[smem:$0x3FA5] =	sst s8  }
0x11: {  	[smem:$0x3FA6] =	sst s9;
	s0 =	simm.s32 @!p0 $0x0  }
0x12: {  	s1 =	sld [smem:$0x3F8C];
	s0 =	simm.s32 @p0 $0x1  }
0x13: {  	[smem:$0x3FA7] =	sst s0;
	s0 =	simm.s32 @!p1 $0x0  }
0x14: {  	s2 =	sld [smem:$0x3F8B];
	s0 =	simm.s32 @p1 $0x1  }
0x15: {  	[smem:$0x3FA8] =	sst s0;
	s0 =	simm.s32 @!p2 $0x0  }
0x16: {  	s3 =	sld [smem:$0x3FDB];
	s0 =	simm.s32 @p2 $0x1  }
0x17: {  	s4 =	simm.s32 $0x1BF5;
	[smem:$0x3FAA] =	sst s0  }
0x18: {  	s0 =	sld [smem:$0x3F8D];
	_ =	swait.ge [sflag:s4], $0x0  }
0x19: {  	s7 =	sld [smem:$0x3F8E]  }
0x1a: {  	s8 =	sadd.s32 $0xFFFFE003, lr  }
0x1b: {  	s9 =	sadd.s32 $0xFFFFFEF7, lr;
	s5 =	simm.s32 $0xFFFFFFFF;
	p2 =	slt.u32 s8, $0xFFFFF086  }
0x1c: {  	p1 =	slt.u32 s9, $0xF7A;
	s5 =	simm.s32 @!p2 $0x0  }
0x1d: {  	s5 =	simm.s32 @p1 $0x1;
	p0 =	seq.s32 s7, s2  }
0x1e: {  	s7 =	smul.u32 @!p0 $0xF7A, s2;
	p2 =	seq.s32 @!p0 s5, $0x0  }
0x1f: {  	s9 =	smul.u32 $0xF7A, s1;
	s8 =	simm.s32 @!p0 $0x1BF5;
	p2 =	por !p2, p0  }
0x20: {  	[sflag:s8] =	ssyncset.s32 @!p0 $0xFFFFF086;
	s6 =	sadd.s32 @!p0 s3, s7;
	s7 =	simm.s32 @!p0 $0x108  }
0x21: {  	s3 =	sadd.s32 s3, s9;
	s6 =	sadd.s32 @!p0 $0x88, s6;
	s7 =	simm.s32 @p2 $0x1082  }
0x22: {  	[simem:s7], [sflag:s8] =	dma.local @!p0 [hbm:s6], $0xF7A  }
0x23: {  	s9 =	sor.u32 $0xD0000000, s2;
	s6 =	simm.s32 $0x108;
	_ =	swait.ge @!p0 [sflag:s8], $0x0  }
0x24: {  	s3 =	sadd.s32 $0x88, s3;
	s6 =	simm.s32 @!p1 $0x1082;
	[sflag:s4] =	ssyncset.s32 $0xFFFFF086  }
0x25: {  	[simem:s6], [sflag:s4] =	dma.local [hbm:s3], $0xF7A  }
0x26: {  	[smem:$0x3F8E] =	sst s1;
	(tag) =	ssettag s2;
	_ =	strace s9  }
0x27: {  	s1 =	sld [smem:$0x3F9E]  }
0x28: {  	s2 =	sld [smem:$0x3F9F]  }
0x29: {  	s4 =	sld [smem:$0x3FA1]  }
0x2a: {  	p0 =	seq.s32 s5, $0x0;
	s5 =	sld [smem:$0x3FA2]  }
0x2b: {  	s6 =	sld [smem:$0x3FA3]  }
0x2c: {  	s7 =	sld [smem:$0x3FA4]  }
0x2d: {  	s3 =	simm.s32 $0x108;
	s8 =	sld [smem:$0x3FA5]  }
0x2e: {  	s3 =	simm.s32 @!p0 $0x1082;
	s9 =	sld [smem:$0x3FA6]  }
0x2f: {  	lr =	sadd.s32 s0, s3;
	s0 =	sld [smem:$0x3F9D]  }
0x30: {  	s3 =	sld [smem:$0x3FA0]  }
0x31: {  	[smem:$0x3FA9] =	sst s10  }
0x32: {  	s10 =	sld [smem:$0x3FA7];
	_ =	sdelay $0x3  }
0x33: {  	p0 =	seq.s32 s10, $0x1;
	s10 =	sld [smem:$0x3FA9];
	_ =	sdelay $0x3  }
0x34: {  	[smem:$0x3FA9] =	sst s10  }
0x35: {  	s10 =	sld [smem:$0x3FA8];
	_ =	sdelay $0x3  }
0x36: {  	p1 =	seq.s32 s10, $0x1;
	s10 =	sld [smem:$0x3FA9];
	_ =	sdelay $0x3  }
0x37: {  	[smem:$0x3FA9] =	sst s10  }
0x38: {  	s10 =	sld [smem:$0x3FAA]  }
0x39: {  	_ = 	snop;
	(pc) =	sbr.ind lr, $3  }
0x3a: {  	_ = 	snop  }
0x3b: {  	_ = 	snop  }
0x3c: {  	p2 =	seq.s32 s10, $0x1;
	s10 =	sld [smem:$0x3FA9]  }
0x3d: {  	_ =	shalt  }
0x3e: {  	_ =	shalt  }
0x3f: {  	_ =	shalt  }
0x40: {  	_ =	shalt  }
0x41: {  	_ =	shalt  }
0x42: {  	_ =	shalt  }
0x43: {  	_ =	shalt  }
0x44: {  	_ =	shalt  }
0x45: {  	_ =	shalt  }
0x46: {  	_ =	shalt  }
0x47: {  	_ =	shalt  }
0x48: {  	_ =	shalt  }
0x49: {  	_ =	shalt  }
0x4a: {  	_ =	shalt  }
0x4b: {  	_ =	shalt  }
0x4c: {  	_ =	shalt  }
0x4d: {  	_ =	shalt  }
0x4e: {  	_ =	shalt  }
0x4f: {  	_ =	shalt  }
0x50: {  	_ =	shalt  }
0x51: {  	_ =	shalt  }
0x52: {  	_ =	shalt  }
0x53: {  	_ =	shalt  }
0x54: {  	_ =	shalt  }
0x55: {  	_ =	shalt  }
0x56: {  	_ =	shalt  }
0x57: {  	_ =	shalt  }
0x58: {  	_ =	shalt  }
0x59: {  	_ =	shalt  }
0x5a: {  	_ =	shalt  }
0x5b: {  	_ =	shalt  }
0x5c: {  	_ =	shalt  }
0x5d: {  	_ =	shalt  }
0x5e: {  	_ =	shalt  }
0x5f: {  	_ =	shalt  }
0x60: {  	_ =	shalt  }
0x61: {  	_ =	shalt  }
0x62: {  	_ =	shalt  }
0x63: {  	_ =	shalt  }
0x64: {  	_ =	shalt  }
0x65: {  	_ =	shalt  }
0x66: {  	_ =	shalt  }
0x67: {  	_ =	shalt  }
0x68: {  	_ =	shalt  }
0x69: {  	_ =	shalt  }
0x6a: {  	_ =	shalt  }
0x6b: {  	_ =	shalt  }
0x6c: {  	_ =	shalt  }
0x6d: {  	_ =	shalt  }
0x6e: {  	_ =	shalt  }
0x6f: {  	_ =	shalt  }
0x70: {  	_ =	shalt  }
0x71: {  	_ =	shalt  }
0x72: {  	_ =	shalt  }
0x73: {  	_ =	shalt  }
0x74: {  	_ =	shalt  }
0x75: {  	_ =	shalt  }
0x76: {  	_ =	shalt  }
0x77: {  	_ =	shalt  }
0x78: {  	_ =	shalt  }
0x79: {  	_ =	shalt  }
0x7a: {  	_ =	shalt  }
0x7b: {  	_ =	shalt  }
0x7c: {  	_ =	shalt  }
0x7d: {  	_ =	shalt  }
0x7e: {  	_ =	shalt  }
0x7f: {  	_ =	shalt  }
0x80: {  	_ =	shalt  }
0x81: {  	_ =	shalt  }
0x82: {  	_ =	shalt  }
0x83: {  	_ =	shalt  }
0x84: {  	_ =	shalt  }
0x85: {  	_ =	shalt  }
0x86: {  	_ =	shalt  }
0x87: {  	_ =	shalt  }
.Lfunc_end0:
.L_simem_size_0:
called_computation_lowered:
.L_overlay_start_0:
0x88: {  	s2 =	sld [smem:$0x3FD9]  }
0x89: {  	s3 =	sld [smem:$0x3FFE];
	_ =	sdelay $0x1  }
0x8a: {  	s1 =	srdreg.scid  }
0x8b: {  	s0 =	sand.u32 $0x1, s1  }
0x8c: {  	s16 =	sshll.u32 s0, $0xA;
	s2 =	sadd.s32 s3, s2  }
0x8d: {  	s2 =	sadd.s32 s2, s16  }
0x8e: {  	[smem:$0x3FB5] =	sst s2  }
0x8f: {  	_ = 	snop  }
0x90: {  	(tm) =	ssettm $0x1  }
0x91: {  	s17 =	sld [smem:$0x3FFB];
	_ =	sdelay $0x3  }
0x92: {  	_ =	strace s17  }
0x93: {  	s2 =	sld [smem:$0x3FFC];
	_ =	sdelay $0x3  }
0x94: {  	_ =	strace s2  }
0x95: {  	s2 =	sld [smem:$0x3FFD];
	_ =	sdelay $0x3  }
0x96: {  	_ =	strace s2  }
0x97: {  	_ =	strace $0x8FFFFFFF  }
0x98: {  	s18 =	sld [smem:$0x3FDB];
	_ =	sdelay $0x1  }
0x99: {  	s19 =	simm.s32 $_scs_section_size  }
0x9a: {  	s4 =	simm.s32 $_size__tile_overlayer_lowered;
	s5 =	simm.s32 $_tile_overlayer_lowered  }
0x9b: {  	s22 =	simm.s32 $0x1BFF;
	s21 =	sshll.u32 s5, $0x1;
	s2 =	sadd.s32 s19, s18  }
0x9c: {  	s6 =	simm.s32 $0x0;
	s20 =	sshll.u32 s4, $0x1;
	s4 =	sadd.s32 s21, s2  }
0x9d: {  	[timem:s6], [sflag:s22] =	dma.local [hbm:s4], s20  }
0x9e: {  	_ =	swait.ge [sflag:s22], s20  }
0x9f: {  	s3 =	ssub.s32 $0x0, s20;
	[sflag:s22] =	ssyncset.done $0x0  }
0xa0: {  	[sflag:s22] =	ssyncadd.s32 s3;
	_ =	sdelay $0x1  }
0xa1: {  	s23 =	simm.s32 $0x1B8B  }
0xa2: {  	_ =	swait.ge [sflag:s23], $0x1  }
0xa3: {  	[sflag:s23] =	ssyncset.done $0x0  }
0xa4: {  	s25 =	simm.s32 $0x1B8E;
	s24 =	sld [smem:$0x3FFE];
	[sflag:s23] =	ssyncadd.s32 $0xFFFFFFFF  }
0xa5: {  	s26 =	simm.s32 $execute0_lowered;
	[smem:$0x3FD2] =	sst s25  }
0xa6: {  	s4 =	sshll.u32 s26, $0x1;
	_ =	strace $0x80000046;
	[dreg:$0x1] =	wrdreg $0xFFFFFFFF  }
0xa7: {  	s28 =	simm.s32 $_size_execute0_lowered;
	s2 =	sadd.s32 s2, s4;
	[dreg:$0x0] =	wrdreg $0x0  }
0xa8: {  	s4 =	sshll.u32 s28, $0x1;
	[dreg:$0x2] =	wrdreg s2  }
0xa9: {  	[dreg:$0x3] =	wrdreg s4  }
0xaa: {  	[dreg:$0x4] =	wrdreg $0xC0  }
0xab: {  	_ =	task [dreg:s6], $0x5FFFF  }
0xac: {  	[dreg:$0x1] =	wrdreg $0xFFFFFFFF  }
0xad: {  	[dreg:$0x0] =	wrdreg $0x60  }
0xae: {  	[dreg:$0x2] =	wrdreg s24  }
0xaf: {  	[dreg:$0x3] =	wrdreg $0x40800  }
0xb0: {  	[dreg:$0x4] =	wrdreg $0x9  }
0xb1: {  	_ =	task.clear_ibuf [dreg:s6], $0x5FFFF;
	_ =	strace $0x90000046  }
0xb2: {  	s29 =	simm.s32 $0x9;
	_ =	strace $0x80000048  }
0xb3: {  	_ =	swait.ge [sflag:s29], $0x1  }
0xb4: {  	[sflag:s29] =	ssyncadd.s32 $0xFFFFFFFF  }
0xb5: {  	_ =	strace $0x90000048  }
0xb6: {  	_ =	sfence  }
0xb7: {  	s30 =	sld [smem:$0x0];
	_ =	sdelay $0x2  }
0xb8: {  	s31 =	sshll.u32 s1, $0xD;
	s1 =	sshrl.u32 s1, $0x2  }
0xb9: {  	s3 =	sand.u32 $0x4000, s31;
	s1 =	sadd.s32 s1, s30  }
0xba: {  	s0 =	sor.u32 s3, s0;
	s1 =	sshll.u32 s1, $0x11  }
0xbb: {  	s0 =	sor.u32 s1, s0  }
0xbc: {  	s0 =	sadd.s32 $0x8F2B, s0  }
0xbd: {  	[sflag:s0] =	ssyncadd.remote.s32 $0x1  }
0xbe: {  	_ =	sfence.sel $0xFFFF  }
0xbf: {  	[dreg:$0x0] =	wrdreg $0xFFFFFFFF;
	(pc) =	sbr.abs _section_cstart, $3  }
0xc0: {  	[dreg:$0x1] =	wrdreg $0xFFFFFFFF  }
0xc1: {  	_ =	task.clear_ibuf [dreg:s6], $0x2FFFF;
	_ =	strace $0x9FFFFFFF  }
0xc2: {  	(tm) =	ssettm $0x7FFFFFFF  }
0xc3: {  	_ =	shalt  }
tec
execute0_lowered:
.L_overlay_start_1:
0x0: {  	(tag) =	ssettag $0x1  }
0x1: {  	s4 =	rddreg [dreg:$0x0]  }
0x2: {  	s0 =	srdreg.scid;
	s1 =	stileid.u32  }
0x3: {  	s2 =	rddreg [dreg:$0x1];
	s6 =	smul.u32 $0x2780, s1  }
0x4: {  	s3 =	simm.s32 $0x0;
	s13 =	simm.s32 $0x5FE00;
	s8 =	smul.u32 $0x4F000, s1  }
0x5: {  	s7 =	sand.u32 $0x1, s0;
	s0 =	rddreg [dreg:$0x2];
	s31 =	smul.u32 $0x4F0, s1  }
0x6: {  	[smem:$0x7FF] =	sst s3;
	s30 =	sshll.u32 s1, $0x6;
	s5 =	smul.u32 $0x4F00, s7  }
0x7: {  	_ =	strace $0x80000047;
	s28 =	ssub.s32 $0x2, s7;
	p0 =	seq.s32 s7, $0x1  }
0x8: {  	s10 =	sadd.s32 s6, s4;
	s29 =	sshrl.u32 s28, $0x1;
	s8 =	sshrl.u32 s8, $0x2  }
0x9: {  	s6 =	sor.u32 $0x1C01, s30;
	s13 =	simm.s32 @!p0 $0x38600;
	s9 =	sadd.s32 s5, s4  }
0xa: {  	s4 =	sadd.s32 $0x10600, s4;
	s11 =	ssub.s32 s28, s29;
	s12 =	sadd.s32 s8, s2  }
0xb: {  	s5 =	sadd.s32 $0x10E00, s10;
	s8 =	sadd.s32 s13, s10;
	s13 =	simm.s32 $0x0  }
0xc: {  	s7 =	smax.u32 s11, $0x1;
	s9 =	sadd.s32 s31, s9;
	s10 =	sshrl.u32 s12, $0x3  }
0xd: {  	s11 =	simm.s32 $0x1;
	s12 =	simm.s32 $0x80;
	s9 =	sadd.s32 $0x6800, s9  }
.LBB2_1:
0xe: {  	[spmem:s10], [sflag:s6] =	dma.local [hbm:s5], $0x2780  }
0xf: {  	_ =	swait.ge [sflag:s11], $0x2780  }
0x10: {  	[sflag:s11] =	ssyncset.done $0x0  }
0x11: {  	[sflag:s11] =	ssyncadd.s32 $0xFFFFD880  }
0x12: {  	[tilespmem:s12], [sflag:$0x1] =	stream.linear.gather [hbm4b:s4+s3], $0x4000, $0x38;
	[tilespmem:$0x17C80] =	vst v63  }
0x13: {  	_ =	swait.ge [sflag:s11], $0x4000  }
0x14: {  	[sflag:s11] =	ssyncset.done $0x0  }
0x15: {  	[sflag:s11] =	ssyncadd.s32 $0xFFFFC000  }
0x16: {  	s14 =	sadd.s32 $0x0, s9;
	[bflag:$0x0] =	sbarrier.arrive $0xFFFF  }
0x17: {  	[tilespmem:s3], [sflag:$0x1] =	stream.linear.gather [hbm4b:s14+s3], $0x80, $0x38;
	[tilespmem:$0x17C80] =	vst v63  }
0x18: {  	_ =	swait.ge [sflag:s11], $0x80  }
0x19: {  	[sflag:s11] =	ssyncset.done $0x0  }
0x1a: {  	[sflag:s11] =	ssyncadd.s32 $0xFFFFFF80  }
0x1b: {  	[spmem:s2] =	stream.indirect.scatter.add.f32 [tilespmem:s12], [sflag:$0x1], $0x80, s3, s12, $0xb8;
	[tilespmem:$0x17C80] =	vst v63  }
0x1c: {  	_ =	swait.ge [sflag:s11], $0x4000  }
0x1d: {  	s15 =	simm.s32 $0x20;
	s14 =	simm.s32 $0x10;
	[sflag:s11] =	ssyncset.done $0x0  }
.LBB2_2:
0x1e: {  	s16 =	sadd.s32 s14, s9  }
0x1f: {  	[sflag:s11] =	ssyncadd.s32 $0xFFFFC000;
	s14 =	smov.u32 s15;
	s17 =	sadd.s32 $0x10, s15  }
0x20: {  	[tilespmem:s3], [sflag:$0x1] =	stream.linear.gather [hbm4b:s16+s3], $0x80, $0x38;
	[tilespmem:$0x17C80] =	vst v63  }
0x21: {  	p0 =	sne.s32 s15, $0x4E0;
	_ =	swait.ge [sflag:s11], $0x80  }
.Ltmp0:
0x22: {  	[sflag:s11] =	ssyncset.done $0x0;
	(pc) =	sbr.rel @p0 .LBB2_2-.Ltmp0, $4  }
0x23: {  	[sflag:s11] =	ssyncadd.s32 $0xFFFFFF80  }
0x24: {  	[spmem:s2] =	stream.indirect.scatter.add.f32 [tilespmem:s12], [sflag:$0x1], $0x80, s3, s12, $0xb8;
	[tilespmem:$0x17C80] =	vst v63  }
0x25: {  	_ =	swait.ge [sflag:s11], $0x4000  }
0x26: {  	s15 =	smov.u32 s17;
	[sflag:s11] =	ssyncset.done $0x0  }
0x27: {  	s14 =	sadd.s32 s14, s9;
	[sflag:s11] =	ssyncadd.s32 $0xFFFFC000  }
0x28: {  	[tilespmem:s3], [sflag:$0x1] =	stream.linear.gather [hbm4b:s14+s3], $0x80, $0x38;
	[tilespmem:$0x17C80] =	vst v63  }
0x29: {  	_ =	swait.ge [sflag:s11], $0x80  }
0x2a: {  	[sflag:s11] =	ssyncset.done $0x0  }
0x2b: {  	[sflag:s11] =	ssyncadd.s32 $0xFFFFFF80  }
0x2c: {  	[spmem:s2] =	stream.indirect.scatter.add.f32 [tilespmem:s12], [sflag:$0x1], $0x80, s3, s12, $0xb8;
	[tilespmem:$0x17C80] =	vst v63  }
0x2d: {  	_ =	swait.ge [sflag:s11], $0x4000  }
0x2e: {  	s13 =	sadd.s32 $0x1, s13;
	[sflag:s11] =	ssyncset.done $0x0  }
0x2f: {  	p0 =	sne.s32 s13, s7;
	[sflag:s11] =	ssyncadd.s32 $0xFFFFC000  }
.Ltmp1:
0x30: {  	[bflag:$0x0] =	sbarrier.arrive $0xFFFF;
	(pc) =	sbr.rel @p0 .LBB2_1-.Ltmp1, $4  }
0x31: {  	[hbm:s8], [sflag:s6] =	dma.local [spmem:s10], $0x2780  }
0x32: {  	_ =	swait.ge [sflag:s11], $0x2780  }
0x33: {  	[sflag:s11] =	ssyncset.done $0x0  }
0x34: {  	[sflag:s11] =	ssyncadd.s32 $0xFFFFD880  }
0x35: {  	_ =	sfence.sel $0x180000  }
0x36: {  	[bflag:$0x0] =	sbarrier.arrive $0xFFFF  }
0x37: {  	p0 =	sne.s32 s1, $0x0;
	_ =	strace $0x90000047  }
0x38: {  	s0 =	sadd.s32 @!p0 $0x100000, s0;
	[bflag:$0x2] =	sbarrier.arrive $0xFFFF  }
0x39: {  	[sflag:s0] =	ssyncadd.tile.s32 @!p0 $0x1;
	_ =	shalt  }
.Lfunc_end2:
_tile_overlayer_lowered:
.L_overlay_start_2:
0x3a: {  	(tag) =	ssettag $0x2  }
0x3b: {  	s0 =	rddreg [dreg:$0x0];
	s2 =	stileid.u32  }
0x3c: {  	s1 =	rddreg [dreg:$0x1];
	p0 =	sne.s32 s2, $0x0  }
0x3d: {  	s3 =	rddreg [dreg:$0x2];
	[bflag:$0x3] =	sbarrier.arrive $0xFFFF;
	s2 =	simm.s32 @!p0 $0x1C01  }
0x3e: {  	[timem:s3], [sflag:s2] =	dma.local @!p0 [hbm:s0], s1  }
0x3f: {  	s0 =	simm.s32 @!p0 $0x1  }
0x40: {  	_ =	swait.ge @!p0 [sflag:s0], s1  }
0x41: {  	s1 =	ssub.s32 @!p0 $0x0, s1;
	[sflag:s0] =	ssyncset.done @!p0 $0x0  }
0x42: {  	[sflag:s0] =	ssyncadd.s32 @!p0 s1  }
0x43: {  	[bflag:$0x3] =	sbarrier.arrive $0xFFFF  }
0x44: {  	_ =	shalt  }

// kernel: kernel.13.cloned.1.call-start
scs
__scs_entry_jumppad:
0x0: {  	(pc) =	sbr.rel $0x88, $3  }
0x1: {  	(tag) =	ssettag $0x0;
	lr =	simm.s32 $0x1  }
0x2: {  	[smem:$0x3F8E] =	sst lr;
	_ =	strace $0xD0000000  }
0x3: {  	_ = 	snop  }
0x4: {  	_ = 	snop  }
0x5: {  	_ = 	snop  }
0x6: {  	_ = 	snop  }
0x7: {  	_ = 	snop  }
__scs_overlays_trampoline_lowered:
0x8: {  	[smem:$0x3F9D] =	sst s0  }
0x9: {  	[smem:$0x3F9E] =	sst s1  }
0xa: {  	[smem:$0x3F9F] =	sst s2  }
0xb: {  	[smem:$0x3FA0] =	sst s3  }
0xc: {  	[smem:$0x3FA1] =	sst s4  }
0xd: {  	[smem:$0x3FA2] =	sst s5  }
0xe: {  	[smem:$0x3FA3] =	sst s6  }
0xf: {  	[smem:$0x3FA4] =	sst s7  }
0x10: {  	[smem:$0x3FA5] =	sst s8  }
0x11: {  	[smem:$0x3FA6] =	sst s9;
	s0 =	simm.s32 @!p0 $0x0  }
0x12: {  	s1 =	sld [smem:$0x3F8C];
	s0 =	simm.s32 @p0 $0x1  }
0x13: {  	[smem:$0x3FA7] =	sst s0;
	s0 =	simm.s32 @!p1 $0x0  }
0x14: {  	s2 =	sld [smem:$0x3F8B];
	s0 =	simm.s32 @p1 $0x1  }
0x15: {  	[smem:$0x3FA8] =	sst s0;
	s0 =	simm.s32 @!p2 $0x0  }
0x16: {  	s3 =	sld [smem:$0x3FDB];
	s0 =	simm.s32 @p2 $0x1  }
0x17: {  	s4 =	simm.s32 $0x1BF5;
	[smem:$0x3FAA] =	sst s0  }
0x18: {  	s0 =	sld [smem:$0x3F8D];
	_ =	swait.ge [sflag:s4], $0x0  }
0x19: {  	s7 =	sld [smem:$0x3F8E]  }
0x1a: {  	s8 =	sadd.s32 $0xFFFFE003, lr  }
0x1b: {  	s9 =	sadd.s32 $0xFFFFFEF7, lr;
	s5 =	simm.s32 $0xFFFFFFFF;
	p2 =	slt.u32 s8, $0xFFFFF086  }
0x1c: {  	p1 =	slt.u32 s9, $0xF7A;
	s5 =	simm.s32 @!p2 $0x0  }
0x1d: {  	s5 =	simm.s32 @p1 $0x1;
	p0 =	seq.s32 s7, s2  }
0x1e: {  	s7 =	smul.u32 @!p0 $0xF7A, s2;
	p2 =	seq.s32 @!p0 s5, $0x0  }
0x1f: {  	s9 =	smul.u32 $0xF7A, s1;
	s8 =	simm.s32 @!p0 $0x1BF5;
	p2 =	por !p2, p0  }
0x20: {  	[sflag:s8] =	ssyncset.s32 @!p0 $0xFFFFF086;
	s6 =	sadd.s32 @!p0 s3, s7;
	s7 =	simm.s32 @!p0 $0x108  }
0x21: {  	s3 =	sadd.s32 s3, s9;
	s6 =	sadd.s32 @!p0 $0x88, s6;
	s7 =	simm.s32 @p2 $0x1082  }
0x22: {  	[simem:s7], [sflag:s8] =	dma.local @!p0 [hbm:s6], $0xF7A  }
0x23: {  	s9 =	sor.u32 $0xD0000000, s2;
	s6 =	simm.s32 $0x108;
	_ =	swait.ge @!p0 [sflag:s8], $0x0  }
0x24: {  	s3 =	sadd.s32 $0x88, s3;
	s6 =	simm.s32 @!p1 $0x1082;
	[sflag:s4] =	ssyncset.s32 $0xFFFFF086  }
0x25: {  	[simem:s6], [sflag:s4] =	dma.local [hbm:s3], $0xF7A  }
0x26: {  	[smem:$0x3F8E] =	sst s1;
	(tag) =	ssettag s2;
	_ =	strace s9  }
0x27: {  	s1 =	sld [smem:$0x3F9E]  }
0x28: {  	s2 =	sld [smem:$0x3F9F]  }
0x29: {  	s4 =	sld [smem:$0x3FA1]  }
0x2a: {  	p0 =	seq.s32 s5, $0x0;
	s5 =	sld [smem:$0x3FA2]  }
0x2b: {  	s6 =	sld [smem:$0x3FA3]  }
0x2c: {  	s7 =	sld [smem:$0x3FA4]  }
0x2d: {  	s3 =	simm.s32 $0x108;
	s8 =	sld [smem:$0x3FA5]  }
0x2e: {  	s3 =	simm.s32 @!p0 $0x1082;
	s9 =	sld [smem:$0x3FA6]  }
0x2f: {  	lr =	sadd.s32 s0, s3;
	s0 =	sld [smem:$0x3F9D]  }
0x30: {  	s3 =	sld [smem:$0x3FA0]  }
0x31: {  	[smem:$0x3FA9] =	sst s10  }
0x32: {  	s10 =	sld [smem:$0x3FA7];
	_ =	sdelay $0x3  }
0x33: {  	p0 =	seq.s32 s10, $0x1;
	s10 =	sld [smem:$0x3FA9];
	_ =	sdelay $0x3  }
0x34: {  	[smem:$0x3FA9] =	sst s10  }
0x35: {  	s10 =	sld [smem:$0x3FA8];
	_ =	sdelay $0x3  }
0x36: {  	p1 =	seq.s32 s10, $0x1;
	s10 =	sld [smem:$0x3FA9];
	_ =	sdelay $0x3  }
0x37: {  	[smem:$0x3FA9] =	sst s10  }
0x38: {  	s10 =	sld [smem:$0x3FAA]  }
0x39: {  	_ = 	snop;
	(pc) =	sbr.ind lr, $3  }
0x3a: {  	_ = 	snop  }
0x3b: {  	_ = 	snop  }
0x3c: {  	p2 =	seq.s32 s10, $0x1;
	s10 =	sld [smem:$0x3FA9]  }
0x3d: {  	_ =	shalt  }
0x3e: {  	_ =	shalt  }
0x3f: {  	_ =	shalt  }
0x40: {  	_ =	shalt  }
0x41: {  	_ =	shalt  }
0x42: {  	_ =	shalt  }
0x43: {  	_ =	shalt  }
0x44: {  	_ =	shalt  }
0x45: {  	_ =	shalt  }
0x46: {  	_ =	shalt  }
0x47: {  	_ =	shalt  }
0x48: {  	_ =	shalt  }
0x49: {  	_ =	shalt  }
0x4a: {  	_ =	shalt  }
0x4b: {  	_ =	shalt  }
0x4c: {  	_ =	shalt  }
0x4d: {  	_ =	shalt  }
0x4e: {  	_ =	shalt  }
0x4f: {  	_ =	shalt  }
0x50: {  	_ =	shalt  }
0x51: {  	_ =	shalt  }
0x52: {  	_ =	shalt  }
0x53: {  	_ =	shalt  }
0x54: {  	_ =	shalt  }
0x55: {  	_ =	shalt  }
0x56: {  	_ =	shalt  }
0x57: {  	_ =	shalt  }
0x58: {  	_ =	shalt  }
0x59: {  	_ =	shalt  }
0x5a: {  	_ =	shalt  }
0x5b: {  	_ =	shalt  }
0x5c: {  	_ =	shalt  }
0x5d: {  	_ =	shalt  }
0x5e: {  	_ =	shalt  }
0x5f: {  	_ =	shalt  }
0x60: {  	_ =	shalt  }
0x61: {  	_ =	shalt  }
0x62: {  	_ =	shalt  }
0x63: {  	_ =	shalt  }
0x64: {  	_ =	shalt  }
0x65: {  	_ =	shalt  }
0x66: {  	_ =	shalt  }
0x67: {  	_ =	shalt  }
0x68: {  	_ =	shalt  }
0x69: {  	_ =	shalt  }
0x6a: {  	_ =	shalt  }
0x6b: {  	_ =	shalt  }
0x6c: {  	_ =	shalt  }
0x6d: {  	_ =	shalt  }
0x6e: {  	_ =	shalt  }
0x6f: {  	_ =	shalt  }
0x70: {  	_ =	shalt  }
0x71: {  	_ =	shalt  }
0x72: {  	_ =	shalt  }
0x73: {  	_ =	shalt  }
0x74: {  	_ =	shalt  }
0x75: {  	_ =	shalt  }
0x76: {  	_ =	shalt  }
0x77: {  	_ =	shalt  }
0x78: {  	_ =	shalt  }
0x79: {  	_ =	shalt  }
0x7a: {  	_ =	shalt  }
0x7b: {  	_ =	shalt  }
0x7c: {  	_ =	shalt  }
0x7d: {  	_ =	shalt  }
0x7e: {  	_ =	shalt  }
0x7f: {  	_ =	shalt  }
0x80: {  	_ =	shalt  }
0x81: {  	_ =	shalt  }
0x82: {  	_ =	shalt  }
0x83: {  	_ =	shalt  }
0x84: {  	_ =	shalt  }
0x85: {  	_ =	shalt  }
0x86: {  	_ =	shalt  }
0x87: {  	_ =	shalt  }
.Lfunc_end0:
.L_simem_size_0:
called_computation.1_lowered:
.L_overlay_start_0:
0x88: {  	s2 =	sld [smem:$0x3FD9]  }
0x89: {  	s3 =	sld [smem:$0x3FFE];
	_ =	sdelay $0x1  }
0x8a: {  	s1 =	srdreg.scid  }
0x8b: {  	s0 =	sand.u32 $0x1, s1  }
0x8c: {  	s17 =	sshll.u32 s0, $0xA;
	s2 =	sadd.s32 s3, s2  }
0x8d: {  	s2 =	sadd.s32 s2, s17  }
0x8e: {  	[smem:$0x3FB5] =	sst s2  }
0x8f: {  	_ = 	snop  }
0x90: {  	s18 =	sld [smem:$0x3FD0];
	(tm) =	ssettm $0x1  }
0x91: {  	s19 =	sld [smem:$0x3FFB];
	_ =	sdelay $0x3  }
0x92: {  	_ =	strace s19  }
0x93: {  	s2 =	sld [smem:$0x3FFC];
	_ =	sdelay $0x3  }
0x94: {  	_ =	strace s2  }
0x95: {  	s2 =	sld [smem:$0x3FFD];
	_ =	sdelay $0x3  }
0x96: {  	_ =	strace s2  }
0x97: {  	_ =	strace $0x8FFFFFFF  }
0x98: {  	s20 =	sld [smem:$0x3FDB];
	_ =	sdelay $0x1  }
0x99: {  	s4 =	simm.s32 $_scs_section_size  }
0x9a: {  	s5 =	simm.s32 $_size__tile_overlayer_lowered;
	s6 =	simm.s32 $_tile_overlayer_lowered  }
0x9b: {  	s7 =	simm.s32 $0x1BFF;
	s21 =	sshll.u32 s6, $0x1;
	s4 =	sadd.s32 s4, s20  }
0x9c: {  	s22 =	simm.s32 $0x0;
	s5 =	sshll.u32 s5, $0x1;
	s6 =	sadd.s32 s21, s4  }
0x9d: {  	[timem:s22], [sflag:s7] =	dma.local [hbm:s6], s5  }
0x9e: {  	_ =	swait.ge [sflag:s7], s5  }
0x9f: {  	s5 =	ssub.s32 $0x0, s5;
	[sflag:s7] =	ssyncset.done $0x0  }
0xa0: {  	[sflag:s7] =	ssyncadd.s32 s5;
	_ =	sdelay $0x1  }
0xa1: {  	s23 =	simm.s32 $0x1B8B  }
0xa2: {  	_ =	swait.ge [sflag:s23], $0x1  }
0xa3: {  	[sflag:s23] =	ssyncset.done $0x0  }
0xa4: {  	[sflag:s23] =	ssyncadd.s32 $0xFFFFFFFF  }
0xa5: {  	s5 =	sld [smem:$0x0]  }
0xa6: {  	s6 =	sand.u32 $0xFFFFFFFE, s1  }
0xa7: {  	p0 =	sne.s32 s1, s6  }
0xa8: {  	s6 =	sshll.u32 @p0 s6, $0xE  }
0xa9: {  	s6 =	sadd.s32 @p0 $0x11B8D, s6;
	s7 =	sshll.u32 @p0 s5, $0x11  }
0xaa: {  	s6 =	sor.u32 @p0 s7, s6  }
0xab: {  	[sflag:s6] =	ssyncadd.remote.s32 @p0 $0x1;
	_ =	sdelay $0x1  }
0xac: {  	s6 =	simm.s32 @p0 $0x1B8D  }
0xad: {  	_ =	swait.eq @p0 [sflag:s6], $0x1  }
0xae: {  	[sflag:s6] =	ssyncadd.s32 @p0 $0xFFFFFFFF  }
0xaf: {  	s7 =	sshll.u32 @!p0 s1, $0xE  }
0xb0: {  	s7 =	sor.u32 @!p0 $0x4000, s7;
	s6 =	simm.s32 @!p0 $0x1B8D  }
0xb1: {  	s5 =	sshll.u32 @!p0 s5, $0x11;
	s7 =	sadd.s32 @!p0 $0x11B8D, s7;
	_ =	swait.eq @!p0 [sflag:s6], $0x1  }
0xb2: {  	s5 =	sor.u32 @!p0 s5, s7;
	[sflag:s6] =	ssyncadd.s32 @!p0 $0xFFFFFFFF  }
0xb3: {  	s25 =	simm.s32 $0x1B8E;
	s24 =	sld [smem:$0x3FFE];
	[sflag:s5] =	ssyncadd.remote.s32 @!p0 $0x1  }
0xb4: {  	s26 =	simm.s32 $execute0_lowered;
	[smem:$0x3FD2] =	sst s25  }
0xb5: {  	s6 =	sshll.u32 s26, $0x1;
	_ =	strace $0x80000049;
	[dreg:$0x1] =	wrdreg $0xFFFFFFFF  }
0xb6: {  	s28 =	simm.s32 $_size_execute0_lowered;
	s4 =	sadd.s32 s4, s6;
	[dreg:$0x0] =	wrdreg $0x0  }
0xb7: {  	s6 =	sshll.u32 s28, $0x1;
	[dreg:$0x2] =	wrdreg s4  }
0xb8: {  	[dreg:$0x3] =	wrdreg s6  }
0xb9: {  	[dreg:$0x4] =	wrdreg $0xC0  }
0xba: {  	_ =	task [dreg:s22], $0x5FFFF  }
0xbb: {  	[dreg:$0x1] =	wrdreg $0xFFFFFFFF  }
0xbc: {  	[dreg:$0x0] =	wrdreg $0x60  }
0xbd: {  	[dreg:$0x2] =	wrdreg s24  }
0xbe: {  	[dreg:$0x3] =	wrdreg s18  }
0xbf: {  	[dreg:$0x4] =	wrdreg $0x8F000  }
0xc0: {  	[dreg:$0x5] =	wrdreg $0xA  }
0xc1: {  	_ =	task.clear_ibuf [dreg:s22], $0x6FFFF;
	_ =	strace $0x90000049  }
0xc2: {  	s29 =	simm.s32 $0xA;
	_ =	strace $0x8000004B  }
0xc3: {  	_ =	swait.ge [sflag:s29], $0x1  }
0xc4: {  	[sflag:s29] =	ssyncadd.s32 $0xFFFFFFFF  }
0xc5: {  	_ =	strace $0x9000004B  }
0xc6: {  	_ =	sfence  }
0xc7: {  	s30 =	sld [smem:$0x0];
	_ =	sdelay $0x2  }
0xc8: {  	s31 =	sshll.u32 s1, $0xD;
	s1 =	sshrl.u32 s1, $0x2  }
0xc9: {  	s4 =	sand.u32 $0x4000, s31;
	s1 =	sadd.s32 s1, s30  }
0xca: {  	s0 =	sor.u32 s4, s0;
	s1 =	sshll.u32 s1, $0x11  }
0xcb: {  	s0 =	sor.u32 s1, s0  }
0xcc: {  	s0 =	sadd.s32 $0x8F2B, s0  }
0xcd: {  	[sflag:s0] =	ssyncadd.remote.s32 $0x1  }
0xce: {  	_ =	sfence.sel $0xFFFF  }
0xcf: {  	[dreg:$0x0] =	wrdreg $0xFFFFFFFF;
	(pc) =	sbr.abs _section_cstart, $3  }
0xd0: {  	[dreg:$0x1] =	wrdreg $0xFFFFFFFF  }
0xd1: {  	_ =	task.clear_ibuf [dreg:s22], $0x2FFFF;
	_ =	strace $0x9FFFFFFF  }
0xd2: {  	(tm) =	ssettm $0x7FFFFFFF  }
0xd3: {  	_ =	shalt  }
tec
execute0_lowered:
.L_overlay_start_1:
0x0: {  	(tag) =	ssettag $0x1  }
0x1: {  	s5 =	rddreg [dreg:$0x0]  }
0x2: {  	s0 =	srdreg.scid;
	s9 =	rddreg [dreg:$0x1]  }
0x3: {  	s2 =	rddreg [dreg:$0x2];
	s1 =	stileid.u32  }
0x4: {  	s3 =	simm.s32 $0x0;
	s6 =	sand.u32 $0x1, s0;
	s0 =	rddreg [dreg:$0x3]  }
0x5: {  	s15 =	simm.s32 $0x0;
	[smem:$0x7FF] =	sst s3;
	s10 =	smul.u32 $0x2780, s1  }
0x6: {  	s11 =	smul.u32 $0x4F000, s1;
	s14 =	sadd.s32 $0xC2400, s5;
	s31 =	sshll.u32 s1, $0x6  }
0x7: {  	s4 =	sshll.u32 s6, $0x4;
	_ =	strace $0x8000004A;
	s8 =	ssub.s32 $0x2, s6  }
0x8: {  	p0 =	seq.s32 s6, $0x1;
	s6 =	sor.u32 $0x1C02, s31;
	s4 =	sor.u32 s1, s4  }
0x9: {  	s12 =	sadd.s32 s10, s5;
	s13 =	sshrl.u32 s8, $0x1;
	s30 =	sshrl.u32 s11, $0x2  }
0xa: {  	s9 =	smov.u32 @p0 s14;
	s14 =	simm.s32 $0x1;
	s4 =	smul.u32 $0x9E0, s4  }
0xb: {  	s8 =	ssub.s32 s8, s13;
	s11 =	sadd.s32 s30, s2;
	s9 =	sadd.s32 s9, s10  }
0xc: {  	s13 =	simm.s32 $0x4F00;
	s8 =	smax.u32 s8, $0x1;
	s10 =	sshrl.u32 s11, $0x3  }
0xd: {  	s11 =	simm.s32 $0x2;
	s7 =	sadd.s32 s4, s5;
	s4 =	sadd.s32 $0x87600, s5  }
0xe: {  	s5 =	sadd.s32 $0x10E00, s12;
	s12 =	simm.s32 $0x80;
	s7 =	sadd.s32 $0xAE800, s7  }
.LBB2_1:
0xf: {  	[spmem:s10], [sflag:s6] =	dma.local [hbm:s5], $0x2780  }
0x10: {  	_ =	swait.ge [sflag:s11], $0x2780  }
0x11: {  	[sflag:s11] =	ssyncset.done $0x0  }
0x12: {  	[sflag:s11] =	ssyncadd.s32 $0xFFFFD880  }
0x13: {  	[bflag:$0x0] =	sbarrier.arrive $0xFFFF  }
0x14: {  	[tilespmem:s3], [sflag:$0x2] =	stream.linear.gather [hbm4b:s7+s3], $0x4F00, $0x38;
	[tilespmem:$0x1CB00] =	vst v63  }
0x15: {  	_ =	swait.ge [sflag:s11], $0x4F00  }
0x16: {  	[sflag:s11] =	ssyncset.done $0x0  }
0x17: {  	s16 =	simm.s32 $0x0;
	[sflag:s11] =	ssyncadd.s32 $0xFFFFB100  }
0x18: {  	[tilespmem:s13], [sflag:$0x1] =	stream.indirect.gather [hbm4b:s4+s12], $0x80, s16, s12, $0xb8;
	[tilespmem:$0x1CB00] =	vst v63  }
0x19: {  	_ =	swait.ge [sflag:s14], $0x4000  }
0x1a: {  	[sflag:s14] =	ssyncset.done $0x0  }
0x1b: {  	s31 =	simm.s32 $0x80;
	[sflag:s14] =	ssyncadd.s32 $0xFFFFC000  }
0x1c: {  	[spmem:s2] =	stream.indirect.scatter.add.f32 [tilespmem:s13], [sflag:$0x2], $0x80, s31, s12, $0xb8;
	[tilespmem:$0x1CB00] =	vst v63  }
0x1d: {  	_ =	swait.ge [sflag:s11], $0x4000  }
0x1e: {  	s17 =	simm.s32 $0x800;
	s16 =	simm.s32 $0x400;
	[sflag:s11] =	ssyncset.done $0x0  }
.LBB2_2:
0x1f: {  	s18 =	sshra.s32 s16, $0x2  }
0x20: {  	[sflag:s11] =	ssyncadd.s32 $0xFFFFC000;
	s16 =	smov.u32 s17;
	s19 =	sadd.s32 $0x400, s17  }
0x21: {  	[tilespmem:s13], [sflag:$0x1] =	stream.indirect.gather [hbm4b:s4+s12], $0x80, s18, s12, $0xb8;
	[tilespmem:$0x1CB00] =	vst v63  }
0x22: {  	p0 =	sne.s32 s17, $0x13800;
	_ =	swait.ge [sflag:s14], $0x4000  }
.Ltmp0:
0x23: {  	[sflag:s14] =	ssyncset.done $0x0;
	(pc) =	sbr.rel @p0 .LBB2_2-.Ltmp0, $4  }
0x24: {  	s17 =	sadd.s32 $0x80, s18;
	[sflag:s14] =	ssyncadd.s32 $0xFFFFC000  }
0x25: {  	[spmem:s2] =	stream.indirect.scatter.add.f32 [tilespmem:s13], [sflag:$0x2], $0x80, s17, s12, $0xb8;
	[tilespmem:$0x1CB00] =	vst v63  }
0x26: {  	_ =	swait.ge [sflag:s11], $0x4000  }
0x27: {  	s17 =	smov.u32 s19;
	[sflag:s11] =	ssyncset.done $0x0  }
0x28: {  	s16 =	sshra.s32 s16, $0x2;
	[sflag:s11] =	ssyncadd.s32 $0xFFFFC000  }
0x29: {  	[tilespmem:s13], [sflag:$0x1] =	stream.indirect.gather [hbm4b:s4+s12], $0x80, s16, s12, $0xb8;
	[tilespmem:$0x1CB00] =	vst v63  }
0x2a: {  	_ =	swait.ge [sflag:s14], $0x4000  }
0x2b: {  	[sflag:s14] =	ssyncset.done $0x0  }
0x2c: {  	s16 =	sadd.s32 $0x80, s16;
	[sflag:s14] =	ssyncadd.s32 $0xFFFFC000  }
0x2d: {  	[spmem:s2] =	stream.indirect.scatter.add.f32 [tilespmem:s13], [sflag:$0x2], $0x80, s16, s12, $0xb8;
	[tilespmem:$0x1CB00] =	vst v63  }
0x2e: {  	_ =	swait.ge [sflag:s11], $0x4000  }
0x2f: {  	s15 =	sadd.s32 $0x1, s15;
	[sflag:s11] =	ssyncset.done $0x0  }
0x30: {  	p0 =	sne.s32 s15, s8;
	[sflag:s11] =	ssyncadd.s32 $0xFFFFC000  }
.Ltmp1:
0x31: {  	[bflag:$0x0] =	sbarrier.arrive $0xFFFF;
	(pc) =	sbr.rel @p0 .LBB2_1-.Ltmp1, $4  }
0x32: {  	[hbm:s9], [sflag:s6] =	dma.local [spmem:s10], $0x2780  }
0x33: {  	_ =	swait.ge [sflag:s11], $0x2780  }
0x34: {  	[sflag:s11] =	ssyncset.done $0x0  }
0x35: {  	[sflag:s11] =	ssyncadd.s32 $0xFFFFD880  }
0x36: {  	_ =	sfence.sel $0x180000  }
0x37: {  	[bflag:$0x0] =	sbarrier.arrive $0xFFFF  }
0x38: {  	p0 =	sne.s32 s1, $0x0;
	_ =	strace $0x9000004A  }
0x39: {  	s0 =	sadd.s32 @!p0 $0x100000, s0;
	[bflag:$0x2] =	sbarrier.arrive $0xFFFF  }
0x3a: {  	[sflag:s0] =	ssyncadd.tile.s32 @!p0 $0x1;
	_ =	shalt  }
.Lfunc_end2:
_tile_overlayer_lowered:
.L_overlay_start_2:
0x3b: {  	(tag) =	ssettag $0x2  }
0x3c: {  	s0 =	rddreg [dreg:$0x0];
	s2 =	stileid.u32  }
0x3d: {  	s1 =	rddreg [dreg:$0x1];
	p0 =	sne.s32 s2, $0x0  }
0x3e: {  	s3 =	rddreg [dreg:$0x2];
	[bflag:$0x3] =	sbarrier.arrive $0xFFFF;
	s2 =	simm.s32 @!p0 $0x1C02  }
0x3f: {  	[timem:s3], [sflag:s2] =	dma.local @!p0 [hbm:s0], s1  }
0x40: {  	s0 =	simm.s32 @!p0 $0x2  }
0x41: {  	_ =	swait.ge @!p0 [sflag:s0], s1  }
0x42: {  	s1 =	ssub.s32 @!p0 $0x0, s1;
	[sflag:s0] =	ssyncset.done @!p0 $0x0  }
0x43: {  	[sflag:s0] =	ssyncadd.s32 @!p0 s1  }
0x44: {  	[bflag:$0x3] =	sbarrier.arrive $0xFFFF  }
0x45: {  	_ =	shalt  }

// kernel: kernel.16.cloned.1.call-start
scs
__scs_entry_jumppad:
0x0: {  	(pc) =	sbr.rel $0x88, $3  }
0x1: {  	(tag) =	ssettag $0x0;
	lr =	simm.s32 $0x1  }
0x2: {  	[smem:$0x3F8E] =	sst lr;
	_ =	strace $0xD0000000  }
0x3: {  	_ = 	snop  }
0x4: {  	_ = 	snop  }
0x5: {  	_ = 	snop  }
0x6: {  	_ = 	snop  }
0x7: {  	_ = 	snop  }
__scs_overlays_trampoline_lowered:
0x8: {  	[smem:$0x3F9D] =	sst s0  }
0x9: {  	[smem:$0x3F9E] =	sst s1  }
0xa: {  	[smem:$0x3F9F] =	sst s2  }
0xb: {  	[smem:$0x3FA0] =	sst s3  }
0xc: {  	[smem:$0x3FA1] =	sst s4  }
0xd: {  	[smem:$0x3FA2] =	sst s5  }
0xe: {  	[smem:$0x3FA3] =	sst s6  }
0xf: {  	[smem:$0x3FA4] =	sst s7  }
0x10: {  	[smem:$0x3FA5] =	sst s8  }
0x11: {  	[smem:$0x3FA6] =	sst s9;
	s0 =	simm.s32 @!p0 $0x0  }
0x12: {  	s1 =	sld [smem:$0x3F8C];
	s0 =	simm.s32 @p0 $0x1  }
0x13: {  	[smem:$0x3FA7] =	sst s0;
	s0 =	simm.s32 @!p1 $0x0  }
0x14: {  	s2 =	sld [smem:$0x3F8B];
	s0 =	simm.s32 @p1 $0x1  }
0x15: {  	[smem:$0x3FA8] =	sst s0;
	s0 =	simm.s32 @!p2 $0x0  }
0x16: {  	s3 =	sld [smem:$0x3FDB];
	s0 =	simm.s32 @p2 $0x1  }
0x17: {  	s4 =	simm.s32 $0x1BF5;
	[smem:$0x3FAA] =	sst s0  }
0x18: {  	s0 =	sld [smem:$0x3F8D];
	_ =	swait.ge [sflag:s4], $0x0  }
0x19: {  	s7 =	sld [smem:$0x3F8E]  }
0x1a: {  	s8 =	sadd.s32 $0xFFFFE003, lr  }
0x1b: {  	s9 =	sadd.s32 $0xFFFFFEF7, lr;
	s5 =	simm.s32 $0xFFFFFFFF;
	p2 =	slt.u32 s8, $0xFFFFF086  }
0x1c: {  	p1 =	slt.u32 s9, $0xF7A;
	s5 =	simm.s32 @!p2 $0x0  }
0x1d: {  	s5 =	simm.s32 @p1 $0x1;
	p0 =	seq.s32 s7, s2  }
0x1e: {  	s7 =	smul.u32 @!p0 $0xF7A, s2;
	p2 =	seq.s32 @!p0 s5, $0x0  }
0x1f: {  	s9 =	smul.u32 $0xF7A, s1;
	s8 =	simm.s32 @!p0 $0x1BF5;
	p2 =	por !p2, p0  }
0x20: {  	[sflag:s8] =	ssyncset.s32 @!p0 $0xFFFFF086;
	s6 =	sadd.s32 @!p0 s3, s7;
	s7 =	simm.s32 @!p0 $0x108  }
0x21: {  	s3 =	sadd.s32 s3, s9;
	s6 =	sadd.s32 @!p0 $0x88, s6;
	s7 =	simm.s32 @p2 $0x1082  }
0x22: {  	[simem:s7], [sflag:s8] =	dma.local @!p0 [hbm:s6], $0xF7A  }
0x23: {  	s9 =	sor.u32 $0xD0000000, s2;
	s6 =	simm.s32 $0x108;
	_ =	swait.ge @!p0 [sflag:s8], $0x0  }
0x24: {  	s3 =	sadd.s32 $0x88, s3;
	s6 =	simm.s32 @!p1 $0x1082;
	[sflag:s4] =	ssyncset.s32 $0xFFFFF086  }
0x25: {  	[simem:s6], [sflag:s4] =	dma.local [hbm:s3], $0xF7A  }
0x26: {  	[smem:$0x3F8E] =	sst s1;
	(tag) =	ssettag s2;
	_ =	strace s9  }
0x27: {  	s1 =	sld [smem:$0x3F9E]  }
0x28: {  	s2 =	sld [smem:$0x3F9F]  }
0x29: {  	s4 =	sld [smem:$0x3FA1]  }
0x2a: {  	p0 =	seq.s32 s5, $0x0;
	s5 =	sld [smem:$0x3FA2]  }
0x2b: {  	s6 =	sld [smem:$0x3FA3]  }
0x2c: {  	s7 =	sld [smem:$0x3FA4]  }
0x2d: {  	s3 =	simm.s32 $0x108;
	s8 =	sld [smem:$0x3FA5]  }
0x2e: {  	s3 =	simm.s32 @!p0 $0x1082;
	s9 =	sld [smem:$0x3FA6]  }
0x2f: {  	lr =	sadd.s32 s0, s3;
	s0 =	sld [smem:$0x3F9D]  }
0x30: {  	s3 =	sld [smem:$0x3FA0]  }
0x31: {  	[smem:$0x3FA9] =	sst s10  }
0x32: {  	s10 =	sld [smem:$0x3FA7];
	_ =	sdelay $0x3  }
0x33: {  	p0 =	seq.s32 s10, $0x1;
	s10 =	sld [smem:$0x3FA9];
	_ =	sdelay $0x3  }
0x34: {  	[smem:$0x3FA9] =	sst s10  }
0x35: {  	s10 =	sld [smem:$0x3FA8];
	_ =	sdelay $0x3  }
0x36: {  	p1 =	seq.s32 s10, $0x1;
	s10 =	sld [smem:$0x3FA9];
	_ =	sdelay $0x3  }
0x37: {  	[smem:$0x3FA9] =	sst s10  }
0x38: {  	s10 =	sld [smem:$0x3FAA]  }
0x39: {  	_ = 	snop;
	(pc) =	sbr.ind lr, $3  }
0x3a: {  	_ = 	snop  }
0x3b: {  	_ = 	snop  }
0x3c: {  	p2 =	seq.s32 s10, $0x1;
	s10 =	sld [smem:$0x3FA9]  }
0x3d: {  	_ =	shalt  }
0x3e: {  	_ =	shalt  }
0x3f: {  	_ =	shalt  }
0x40: {  	_ =	shalt  }
0x41: {  	_ =	shalt  }
0x42: {  	_ =	shalt  }
0x43: {  	_ =	shalt  }
0x44: {  	_ =	shalt  }
0x45: {  	_ =	shalt  }
0x46: {  	_ =	shalt  }
0x47: {  	_ =	shalt  }
0x48: {  	_ =	shalt  }
0x49: {  	_ =	shalt  }
0x4a: {  	_ =	shalt  }
0x4b: {  	_ =	shalt  }
0x4c: {  	_ =	shalt  }
0x4d: {  	_ =	shalt  }
0x4e: {  	_ =	shalt  }
0x4f: {  	_ =	shalt  }
0x50: {  	_ =	shalt  }
0x51: {  	_ =	shalt  }
0x52: {  	_ =	shalt  }
0x53: {  	_ =	shalt  }
0x54: {  	_ =	shalt  }
0x55: {  	_ =	shalt  }
0x56: {  	_ =	shalt  }
0x57: {  	_ =	shalt  }
0x58: {  	_ =	shalt  }
0x59: {  	_ =	shalt  }
0x5a: {  	_ =	shalt  }
0x5b: {  	_ =	shalt  }
0x5c: {  	_ =	shalt  }
0x5d: {  	_ =	shalt  }
0x5e: {  	_ =	shalt  }
0x5f: {  	_ =	shalt  }
0x60: {  	_ =	shalt  }
0x61: {  	_ =	shalt  }
0x62: {  	_ =	shalt  }
0x63: {  	_ =	shalt  }
0x64: {  	_ =	shalt  }
0x65: {  	_ =	shalt  }
0x66: {  	_ =	shalt  }
0x67: {  	_ =	shalt  }
0x68: {  	_ =	shalt  }
0x69: {  	_ =	shalt  }
0x6a: {  	_ =	shalt  }
0x6b: {  	_ =	shalt  }
0x6c: {  	_ =	shalt  }
0x6d: {  	_ =	shalt  }
0x6e: {  	_ =	shalt  }
0x6f: {  	_ =	shalt  }
0x70: {  	_ =	shalt  }
0x71: {  	_ =	shalt  }
0x72: {  	_ =	shalt  }
0x73: {  	_ =	shalt  }
0x74: {  	_ =	shalt  }
0x75: {  	_ =	shalt  }
0x76: {  	_ =	shalt  }
0x77: {  	_ =	shalt  }
0x78: {  	_ =	shalt  }
0x79: {  	_ =	shalt  }
0x7a: {  	_ =	shalt  }
0x7b: {  	_ =	shalt  }
0x7c: {  	_ =	shalt  }
0x7d: {  	_ =	shalt  }
0x7e: {  	_ =	shalt  }
0x7f: {  	_ =	shalt  }
0x80: {  	_ =	shalt  }
0x81: {  	_ =	shalt  }
0x82: {  	_ =	shalt  }
0x83: {  	_ =	shalt  }
0x84: {  	_ =	shalt  }
0x85: {  	_ =	shalt  }
0x86: {  	_ =	shalt  }
0x87: {  	_ =	shalt  }
.Lfunc_end0:
.L_simem_size_0:
called_computation.2_lowered:
.L_overlay_start_0:
0x88: {  	s2 =	sld [smem:$0x3FD9]  }
0x89: {  	s3 =	sld [smem:$0x3FFE];
	_ =	sdelay $0x1  }
0x8a: {  	s1 =	srdreg.scid  }
0x8b: {  	s0 =	sand.u32 $0x1, s1  }
0x8c: {  	s16 =	sshll.u32 s0, $0xA;
	s2 =	sadd.s32 s3, s2  }
0x8d: {  	s2 =	sadd.s32 s2, s16  }
0x8e: {  	[smem:$0x3FB5] =	sst s2  }
0x8f: {  	_ = 	snop  }
0x90: {  	(tm) =	ssettm $0x1  }
0x91: {  	s17 =	sld [smem:$0x3FFB];
	_ =	sdelay $0x3  }
0x92: {  	_ =	strace s17  }
0x93: {  	s2 =	sld [smem:$0x3FFC];
	_ =	sdelay $0x3  }
0x94: {  	_ =	strace s2  }
0x95: {  	s2 =	sld [smem:$0x3FFD];
	_ =	sdelay $0x3  }
0x96: {  	_ =	strace s2  }
0x97: {  	_ =	strace $0x8FFFFFFF  }
0x98: {  	s18 =	sld [smem:$0x3FDB];
	_ =	sdelay $0x1  }
0x99: {  	s19 =	simm.s32 $_scs_section_size  }
0x9a: {  	s4 =	simm.s32 $_size__tile_overlayer_lowered;
	s5 =	simm.s32 $_tile_overlayer_lowered  }
0x9b: {  	s22 =	simm.s32 $0x1BFF;
	s21 =	sshll.u32 s5, $0x1;
	s2 =	sadd.s32 s19, s18  }
0x9c: {  	s6 =	simm.s32 $0x0;
	s20 =	sshll.u32 s4, $0x1;
	s4 =	sadd.s32 s21, s2  }
0x9d: {  	[timem:s6], [sflag:s22] =	dma.local [hbm:s4], s20  }
0x9e: {  	_ =	swait.ge [sflag:s22], s20  }
0x9f: {  	s3 =	ssub.s32 $0x0, s20;
	[sflag:s22] =	ssyncset.done $0x0  }
0xa0: {  	[sflag:s22] =	ssyncadd.s32 s3;
	_ =	sdelay $0x1  }
0xa1: {  	s23 =	simm.s32 $0x1B8B  }
0xa2: {  	_ =	swait.ge [sflag:s23], $0x1  }
0xa3: {  	[sflag:s23] =	ssyncset.done $0x0  }
0xa4: {  	s25 =	simm.s32 $0x1B8E;
	s24 =	sld [smem:$0x3FFE];
	[sflag:s23] =	ssyncadd.s32 $0xFFFFFFFF  }
0xa5: {  	s26 =	simm.s32 $execute0_lowered;
	[smem:$0x3FD2] =	sst s25  }
0xa6: {  	s4 =	sshll.u32 s26, $0x1;
	_ =	strace $0x8000004C;
	[dreg:$0x1] =	wrdreg $0xFFFFFFFF  }
0xa7: {  	s28 =	simm.s32 $_size_execute0_lowered;
	s2 =	sadd.s32 s2, s4;
	[dreg:$0x0] =	wrdreg $0x0  }
0xa8: {  	s4 =	sshll.u32 s28, $0x1;
	[dreg:$0x2] =	wrdreg s2  }
0xa9: {  	[dreg:$0x3] =	wrdreg s4  }
0xaa: {  	[dreg:$0x4] =	wrdreg $0xC0  }
0xab: {  	_ =	task [dreg:s6], $0x5FFFF  }
0xac: {  	[dreg:$0x1] =	wrdreg $0xFFFFFFFF  }
0xad: {  	[dreg:$0x0] =	wrdreg $0x60  }
0xae: {  	[dreg:$0x2] =	wrdreg s24  }
0xaf: {  	[dreg:$0x3] =	wrdreg $0x8F000  }
0xb0: {  	[dreg:$0x4] =	wrdreg $0x9  }
0xb1: {  	_ =	task.clear_ibuf [dreg:s6], $0x5FFFF;
	_ =	strace $0x9000004C  }
0xb2: {  	s29 =	simm.s32 $0x9;
	_ =	strace $0x8000004E  }
0xb3: {  	_ =	swait.ge [sflag:s29], $0x1  }
0xb4: {  	[sflag:s29] =	ssyncadd.s32 $0xFFFFFFFF  }
0xb5: {  	_ =	strace $0x9000004E  }
0xb6: {  	_ =	sfence  }
0xb7: {  	s30 =	sld [smem:$0x0];
	_ =	sdelay $0x2  }
0xb8: {  	s31 =	sshll.u32 s1, $0xD;
	s1 =	sshrl.u32 s1, $0x2  }
0xb9: {  	s3 =	sand.u32 $0x4000, s31;
	s1 =	sadd.s32 s1, s30  }
0xba: {  	s0 =	sor.u32 s3, s0;
	s1 =	sshll.u32 s1, $0x11  }
0xbb: {  	s0 =	sor.u32 s1, s0  }
0xbc: {  	s0 =	sadd.s32 $0x8F2B, s0  }
0xbd: {  	[sflag:s0] =	ssyncadd.remote.s32 $0x1  }
0xbe: {  	_ =	sfence.sel $0xFFFF  }
0xbf: {  	[dreg:$0x0] =	wrdreg $0xFFFFFFFF;
	(pc) =	sbr.abs _section_cstart, $3  }
0xc0: {  	[dreg:$0x1] =	wrdreg $0xFFFFFFFF  }
0xc1: {  	_ =	task.clear_ibuf [dreg:s6], $0x2FFFF;
	_ =	strace $0x9FFFFFFF  }
0xc2: {  	(tm) =	ssettm $0x7FFFFFFF  }
0xc3: {  	_ =	shalt  }
tec
execute0_lowered:
.L_overlay_start_1:
0x0: {  	(tag) =	ssettag $0x1  }
0x1: {  	s5 =	rddreg [dreg:$0x0]  }
0x2: {  	s2 =	rddreg [dreg:$0x1]  }
0x3: {  	s0 =	rddreg [dreg:$0x2]  }
0x4: {  	s3 =	simm.s32 $0x0;
	s1 =	stileid.u32;
	s6 =	srdreg.scid  }
0x5: {  	[smem:$0x7FF] =	sst s3;
	s7 =	sadd.s32 $0xAE800, s5;
	s10 =	smul.u32 $0x2780, s1  }
0x6: {  	s4 =	sadd.s32 $0xC2400, s5;
	s11 =	sadd.s32 $0x5F800, s5;
	s26 =	smul.u32 $0x4F000, s1  }
0x7: {  	s9 =	sand.u32 $0x1, s6;
	s12 =	sadd.s32 $0x86A00, s5;
	s15 =	smul.u32 $0x9E00, s1  }
0x8: {  	s13 =	sadd.s32 $0x110E00, s5;
	s29 =	sshll.u32 s1, $0x6;
	s30 =	smul.u32 $0x13C0, s1  }
0x9: {  	_ =	strace $0x8000004D;
	s28 =	ssub.s32 $0x2, s9;
	p0 =	seq.s32 s9, $0x1  }
0xa: {  	s8 =	sadd.s32 s10, s5;
	s14 =	sshrl.u32 s28, $0x1;
	s6 =	sshrl.u32 s26, $0x2  }
0xb: {  	s15 =	sshrl.u32 s15, $0x3;
	s12 =	smov.u32 @p0 s13;
	s4 =	smov.u32 @p0 s11  }
0xc: {  	s13 =	simm.s32 $0x80;
	s14 =	ssub.s32 s28, s14;
	s16 =	sadd.s32 s6, s2  }
0xd: {  	s5 =	sadd.s32 $0x10E00, s8;
	s6 =	sor.u32 $0x1C02, s29;
	s31 =	sadd.s32 s7, s15  }
0xe: {  	s7 =	sadd.s32 s7, s30;
	s10 =	sadd.s32 s12, s10;
	s12 =	simm.s32 $0x2  }
0xf: {  	s15 =	simm.s32 $0x1;
	s8 =	sadd.s32 $0x9E0, s31;
	s9 =	smax.u32 s14, $0x1  }
0x10: {  	s11 =	sshrl.u32 s16, $0x3;
	s14 =	simm.s32 $0x4F00;
	s16 =	simm.s32 $0x0  }
.LBB2_1:
0x11: {  	[spmem:s11], [sflag:s6] =	dma.local [hbm:s5], $0x2780  }
0x12: {  	_ =	swait.ge [sflag:s12], $0x2780  }
0x13: {  	[sflag:s12] =	ssyncset.done $0x0  }
0x14: {  	[sflag:s12] =	ssyncadd.s32 $0xFFFFD880  }
0x15: {  	[bflag:$0x0] =	sbarrier.arrive $0xFFFF  }
0x16: {  	[tilespmem:s3], [sflag:$0x2] =	stream.linear.gather [hbm4b:s7+s3], $0x4F00, $0x38;
	[tilespmem:$0x1CB00] =	vst v63  }
0x17: {  	_ =	swait.ge [sflag:s12], $0x4F00  }
0x18: {  	[sflag:s12] =	ssyncset.done $0x0  }
0x19: {  	s17 =	simm.s32 $0x0;
	[sflag:s12] =	ssyncadd.s32 $0xFFFFB100  }
0x1a: {  	[tilespmem:s14], [sflag:$0x1] =	stream.indirect.gather [hbm4b:s4+s13], $0x80, s17, s13, $0xb8;
	[tilespmem:$0x1CB00] =	vst v63  }
0x1b: {  	_ =	swait.ge [sflag:s15], $0x4000  }
0x1c: {  	[sflag:s15] =	ssyncset.done $0x0  }
0x1d: {  	s31 =	simm.s32 $0x80;
	[sflag:s15] =	ssyncadd.s32 $0xFFFFC000  }
0x1e: {  	[spmem:s2] =	stream.indirect.scatter.add.f32 [tilespmem:s14], [sflag:$0x2], $0x80, s31, s13, $0xb8;
	[tilespmem:$0x1CB00] =	vst v63  }
0x1f: {  	_ =	swait.ge [sflag:s12], $0x4000  }
0x20: {  	s18 =	simm.s32 $0x800;
	s17 =	simm.s32 $0x400;
	[sflag:s12] =	ssyncset.done $0x0  }
.LBB2_2:
0x21: {  	s19 =	sshra.s32 s17, $0x2  }
0x22: {  	[sflag:s12] =	ssyncadd.s32 $0xFFFFC000;
	s17 =	smov.u32 s18;
	s20 =	sadd.s32 $0x400, s18  }
0x23: {  	[tilespmem:s14], [sflag:$0x1] =	stream.indirect.gather [hbm4b:s4+s13], $0x80, s19, s13, $0xb8;
	[tilespmem:$0x1CB00] =	vst v63  }
0x24: {  	p0 =	sne.s32 s18, $0x13800;
	_ =	swait.ge [sflag:s15], $0x4000  }
.Ltmp0:
0x25: {  	[sflag:s15] =	ssyncset.done $0x0;
	(pc) =	sbr.rel @p0 .LBB2_2-.Ltmp0, $4  }
0x26: {  	s18 =	sadd.s32 $0x80, s19;
	[sflag:s15] =	ssyncadd.s32 $0xFFFFC000  }
0x27: {  	[spmem:s2] =	stream.indirect.scatter.add.f32 [tilespmem:s14], [sflag:$0x2], $0x80, s18, s13, $0xb8;
	[tilespmem:$0x1CB00] =	vst v63  }
0x28: {  	_ =	swait.ge [sflag:s12], $0x4000  }
0x29: {  	s18 =	smov.u32 s20;
	[sflag:s12] =	ssyncset.done $0x0  }
0x2a: {  	s17 =	sshra.s32 s17, $0x2;
	[sflag:s12] =	ssyncadd.s32 $0xFFFFC000  }
0x2b: {  	[tilespmem:s14], [sflag:$0x1] =	stream.indirect.gather [hbm4b:s4+s13], $0x80, s17, s13, $0xb8;
	[tilespmem:$0x1CB00] =	vst v63  }
0x2c: {  	_ =	swait.ge [sflag:s15], $0x4000  }
0x2d: {  	[sflag:s15] =	ssyncset.done $0x0  }
0x2e: {  	s17 =	sadd.s32 $0x80, s17;
	[sflag:s15] =	ssyncadd.s32 $0xFFFFC000  }
0x2f: {  	[spmem:s2] =	stream.indirect.scatter.add.f32 [tilespmem:s14], [sflag:$0x2], $0x80, s17, s13, $0xb8;
	[tilespmem:$0x1CB00] =	vst v63  }
0x30: {  	_ =	swait.ge [sflag:s12], $0x4000  }
0x31: {  	[sflag:s12] =	ssyncset.done $0x0  }
0x32: {  	s29 =	simm.s32 $0x0;
	[sflag:s12] =	ssyncadd.s32 $0xFFFFC000  }
0x33: {  	[tilespmem:s29], [sflag:$0x2] =	stream.linear.gather [hbm4b:s8+s29], $0x4F00, $0x38;
	[tilespmem:$0x1CB00] =	vst v63  }
0x34: {  	_ =	swait.ge [sflag:s12], $0x4F00  }
0x35: {  	[sflag:s12] =	ssyncset.done $0x0  }
0x36: {  	s30 =	simm.s32 $0x0;
	[sflag:s12] =	ssyncadd.s32 $0xFFFFB100  }
0x37: {  	[tilespmem:s14], [sflag:$0x1] =	stream.indirect.gather [hbm4b:s4+s13], $0x80, s30, s13, $0xb8;
	[tilespmem:$0x1CB00] =	vst v63  }
0x38: {  	_ =	swait.ge [sflag:s15], $0x4000  }
0x39: {  	[sflag:s15] =	ssyncset.done $0x0  }
0x3a: {  	s31 =	simm.s32 $0x80;
	[sflag:s15] =	ssyncadd.s32 $0xFFFFC000  }
0x3b: {  	[spmem:s2] =	stream.indirect.scatter.add.f32 [tilespmem:s14], [sflag:$0x2], $0x80, s31, s13, $0xb8;
	[tilespmem:$0x1CB00] =	vst v63  }
0x3c: {  	_ =	swait.ge [sflag:s12], $0x4000  }
0x3d: {  	s18 =	simm.s32 $0x800;
	s17 =	simm.s32 $0x400;
	[sflag:s12] =	ssyncset.done $0x0  }
.LBB2_4:
0x3e: {  	s19 =	sshra.s32 s17, $0x2  }
0x3f: {  	[sflag:s12] =	ssyncadd.s32 $0xFFFFC000;
	s17 =	smov.u32 s18;
	s20 =	sadd.s32 $0x400, s18  }
0x40: {  	[tilespmem:s14], [sflag:$0x1] =	stream.indirect.gather [hbm4b:s4+s13], $0x80, s19, s13, $0xb8;
	[tilespmem:$0x1CB00] =	vst v63  }
0x41: {  	p0 =	sne.s32 s18, $0x13800;
	_ =	swait.ge [sflag:s15], $0x4000  }
.Ltmp1:
0x42: {  	[sflag:s15] =	ssyncset.done $0x0;
	(pc) =	sbr.rel @p0 .LBB2_4-.Ltmp1, $4  }
0x43: {  	s18 =	sadd.s32 $0x80, s19;
	[sflag:s15] =	ssyncadd.s32 $0xFFFFC000  }
0x44: {  	[spmem:s2] =	stream.indirect.scatter.add.f32 [tilespmem:s14], [sflag:$0x2], $0x80, s18, s13, $0xb8;
	[tilespmem:$0x1CB00] =	vst v63  }
0x45: {  	_ =	swait.ge [sflag:s12], $0x4000  }
0x46: {  	s18 =	smov.u32 s20;
	[sflag:s12] =	ssyncset.done $0x0  }
0x47: {  	s17 =	sshra.s32 s17, $0x2;
	[sflag:s12] =	ssyncadd.s32 $0xFFFFC000  }
0x48: {  	[tilespmem:s14], [sflag:$0x1] =	stream.indirect.gather [hbm4b:s4+s13], $0x80, s17, s13, $0xb8;
	[tilespmem:$0x1CB00] =	vst v63  }
0x49: {  	_ =	swait.ge [sflag:s15], $0x4000  }
0x4a: {  	[sflag:s15] =	ssyncset.done $0x0  }
0x4b: {  	s17 =	sadd.s32 $0x80, s17;
	[sflag:s15] =	ssyncadd.s32 $0xFFFFC000  }
0x4c: {  	[spmem:s2] =	stream.indirect.scatter.add.f32 [tilespmem:s14], [sflag:$0x2], $0x80, s17, s13, $0xb8;
	[tilespmem:$0x1CB00] =	vst v63  }
0x4d: {  	_ =	swait.ge [sflag:s12], $0x4000  }
0x4e: {  	s16 =	sadd.s32 $0x1, s16;
	[sflag:s12] =	ssyncset.done $0x0  }
0x4f: {  	p0 =	sne.s32 s16, s9;
	[sflag:s12] =	ssyncadd.s32 $0xFFFFC000  }
.Ltmp2:
0x50: {  	[bflag:$0x0] =	sbarrier.arrive $0xFFFF;
	(pc) =	sbr.rel @p0 .LBB2_1-.Ltmp2, $4  }
0x51: {  	[hbm:s10], [sflag:s6] =	dma.local [spmem:s11], $0x2780  }
0x52: {  	_ =	swait.ge [sflag:s12], $0x2780  }
0x53: {  	[sflag:s12] =	ssyncset.done $0x0  }
0x54: {  	[sflag:s12] =	ssyncadd.s32 $0xFFFFD880  }
0x55: {  	_ =	sfence.sel $0x180000  }
0x56: {  	[bflag:$0x0] =	sbarrier.arrive $0xFFFF  }
0x57: {  	p0 =	sne.s32 s1, $0x0;
	_ =	strace $0x9000004D  }
0x58: {  	s0 =	sadd.s32 @!p0 $0x100000, s0;
	[bflag:$0x2] =	sbarrier.arrive $0xFFFF  }
0x59: {  	[sflag:s0] =	ssyncadd.tile.s32 @!p0 $0x1;
	_ =	shalt  }
.Lfunc_end2:
_tile_overlayer_lowered:
.L_overlay_start_2:
0x5a: {  	(tag) =	ssettag $0x2  }
0x5b: {  	s0 =	rddreg [dreg:$0x0];
	s2 =	stileid.u32  }
0x5c: {  	s1 =	rddreg [dreg:$0x1];
	p0 =	sne.s32 s2, $0x0  }
0x5d: {  	s3 =	rddreg [dreg:$0x2];
	[bflag:$0x3] =	sbarrier.arrive $0xFFFF;
	s2 =	simm.s32 @!p0 $0x1C02  }
0x5e: {  	[timem:s3], [sflag:s2] =	dma.local @!p0 [hbm:s0], s1  }
0x5f: {  	s0 =	simm.s32 @!p0 $0x2  }
0x60: {  	_ =	swait.ge @!p0 [sflag:s0], s1  }
0x61: {  	s1 =	ssub.s32 @!p0 $0x0, s1;
	[sflag:s0] =	ssyncset.done @!p0 $0x0  }
0x62: {  	[sflag:s0] =	ssyncadd.s32 @!p0 s1  }
0x63: {  	[bflag:$0x3] =	sbarrier.arrive $0xFFFF  }
0x64: {  	_ =	shalt  }

// kernel: kernel.19.cloned.1.call-start
scs
__scs_entry_jumppad:
0x0: {  	(pc) =	sbr.rel $0x88, $3  }
0x1: {  	(tag) =	ssettag $0x0;
	lr =	simm.s32 $0x1  }
0x2: {  	[smem:$0x3F8E] =	sst lr;
	_ =	strace $0xD0000000  }
0x3: {  	_ = 	snop  }
0x4: {  	_ = 	snop  }
0x5: {  	_ = 	snop  }
0x6: {  	_ = 	snop  }
0x7: {  	_ = 	snop  }
__scs_overlays_trampoline_lowered:
0x8: {  	[smem:$0x3F9D] =	sst s0  }
0x9: {  	[smem:$0x3F9E] =	sst s1  }
0xa: {  	[smem:$0x3F9F] =	sst s2  }
0xb: {  	[smem:$0x3FA0] =	sst s3  }
0xc: {  	[smem:$0x3FA1] =	sst s4  }
0xd: {  	[smem:$0x3FA2] =	sst s5  }
0xe: {  	[smem:$0x3FA3] =	sst s6  }
0xf: {  	[smem:$0x3FA4] =	sst s7  }
0x10: {  	[smem:$0x3FA5] =	sst s8  }
0x11: {  	[smem:$0x3FA6] =	sst s9;
	s0 =	simm.s32 @!p0 $0x0  }
0x12: {  	s1 =	sld [smem:$0x3F8C];
	s0 =	simm.s32 @p0 $0x1  }
0x13: {  	[smem:$0x3FA7] =	sst s0;
	s0 =	simm.s32 @!p1 $0x0  }
0x14: {  	s2 =	sld [smem:$0x3F8B];
	s0 =	simm.s32 @p1 $0x1  }
0x15: {  	[smem:$0x3FA8] =	sst s0;
	s0 =	simm.s32 @!p2 $0x0  }
0x16: {  	s3 =	sld [smem:$0x3FDB];
	s0 =	simm.s32 @p2 $0x1  }
0x17: {  	s4 =	simm.s32 $0x1BF5;
	[smem:$0x3FAA] =	sst s0  }
0x18: {  	s0 =	sld [smem:$0x3F8D];
	_ =	swait.ge [sflag:s4], $0x0  }
0x19: {  	s7 =	sld [smem:$0x3F8E]  }
0x1a: {  	s8 =	sadd.s32 $0xFFFFE003, lr  }
0x1b: {  	s9 =	sadd.s32 $0xFFFFFEF7, lr;
	s5 =	simm.s32 $0xFFFFFFFF;
	p2 =	slt.u32 s8, $0xFFFFF086  }
0x1c: {  	p1 =	slt.u32 s9, $0xF7A;
	s5 =	simm.s32 @!p2 $0x0  }
0x1d: {  	s5 =	simm.s32 @p1 $0x1;
	p0 =	seq.s32 s7, s2  }
0x1e: {  	s7 =	smul.u32 @!p0 $0xF7A, s2;
	p2 =	seq.s32 @!p0 s5, $0x0  }
0x1f: {  	s9 =	smul.u32 $0xF7A, s1;
	s8 =	simm.s32 @!p0 $0x1BF5;
	p2 =	por !p2, p0  }
0x20: {  	[sflag:s8] =	ssyncset.s32 @!p0 $0xFFFFF086;
	s6 =	sadd.s32 @!p0 s3, s7;
	s7 =	simm.s32 @!p0 $0x108  }
0x21: {  	s3 =	sadd.s32 s3, s9;
	s6 =	sadd.s32 @!p0 $0x88, s6;
	s7 =	simm.s32 @p2 $0x1082  }
0x22: {  	[simem:s7], [sflag:s8] =	dma.local @!p0 [hbm:s6], $0xF7A  }
0x23: {  	s9 =	sor.u32 $0xD0000000, s2;
	s6 =	simm.s32 $0x108;
	_ =	swait.ge @!p0 [sflag:s8], $0x0  }
0x24: {  	s3 =	sadd.s32 $0x88, s3;
	s6 =	simm.s32 @!p1 $0x1082;
	[sflag:s4] =	ssyncset.s32 $0xFFFFF086  }
0x25: {  	[simem:s6], [sflag:s4] =	dma.local [hbm:s3], $0xF7A  }
0x26: {  	[smem:$0x3F8E] =	sst s1;
	(tag) =	ssettag s2;
	_ =	strace s9  }
0x27: {  	s1 =	sld [smem:$0x3F9E]  }
0x28: {  	s2 =	sld [smem:$0x3F9F]  }
0x29: {  	s4 =	sld [smem:$0x3FA1]  }
0x2a: {  	p0 =	seq.s32 s5, $0x0;
	s5 =	sld [smem:$0x3FA2]  }
0x2b: {  	s6 =	sld [smem:$0x3FA3]  }
0x2c: {  	s7 =	sld [smem:$0x3FA4]  }
0x2d: {  	s3 =	simm.s32 $0x108;
	s8 =	sld [smem:$0x3FA5]  }
0x2e: {  	s3 =	simm.s32 @!p0 $0x1082;
	s9 =	sld [smem:$0x3FA6]  }
0x2f: {  	lr =	sadd.s32 s0, s3;
	s0 =	sld [smem:$0x3F9D]  }
0x30: {  	s3 =	sld [smem:$0x3FA0]  }
0x31: {  	[smem:$0x3FA9] =	sst s10  }
0x32: {  	s10 =	sld [smem:$0x3FA7];
	_ =	sdelay $0x3  }
0x33: {  	p0 =	seq.s32 s10, $0x1;
	s10 =	sld [smem:$0x3FA9];
	_ =	sdelay $0x3  }
0x34: {  	[smem:$0x3FA9] =	sst s10  }
0x35: {  	s10 =	sld [smem:$0x3FA8];
	_ =	sdelay $0x3  }
0x36: {  	p1 =	seq.s32 s10, $0x1;
	s10 =	sld [smem:$0x3FA9];
	_ =	sdelay $0x3  }
0x37: {  	[smem:$0x3FA9] =	sst s10  }
0x38: {  	s10 =	sld [smem:$0x3FAA]  }
0x39: {  	_ = 	snop;
	(pc) =	sbr.ind lr, $3  }
0x3a: {  	_ = 	snop  }
0x3b: {  	_ = 	snop  }
0x3c: {  	p2 =	seq.s32 s10, $0x1;
	s10 =	sld [smem:$0x3FA9]  }
0x3d: {  	_ =	shalt  }
0x3e: {  	_ =	shalt  }
0x3f: {  	_ =	shalt  }
0x40: {  	_ =	shalt  }
0x41: {  	_ =	shalt  }
0x42: {  	_ =	shalt  }
0x43: {  	_ =	shalt  }
0x44: {  	_ =	shalt  }
0x45: {  	_ =	shalt  }
0x46: {  	_ =	shalt  }
0x47: {  	_ =	shalt  }
0x48: {  	_ =	shalt  }
0x49: {  	_ =	shalt  }
0x4a: {  	_ =	shalt  }
0x4b: {  	_ =	shalt  }
0x4c: {  	_ =	shalt  }
0x4d: {  	_ =	shalt  }
0x4e: {  	_ =	shalt  }
0x4f: {  	_ =	shalt  }
0x50: {  	_ =	shalt  }
0x51: {  	_ =	shalt  }
0x52: {  	_ =	shalt  }
0x53: {  	_ =	shalt  }
0x54: {  	_ =	shalt  }
0x55: {  	_ =	shalt  }
0x56: {  	_ =	shalt  }
0x57: {  	_ =	shalt  }
0x58: {  	_ =	shalt  }
0x59: {  	_ =	shalt  }
0x5a: {  	_ =	shalt  }
0x5b: {  	_ =	shalt  }
0x5c: {  	_ =	shalt  }
0x5d: {  	_ =	shalt  }
0x5e: {  	_ =	shalt  }
0x5f: {  	_ =	shalt  }
0x60: {  	_ =	shalt  }
0x61: {  	_ =	shalt  }
0x62: {  	_ =	shalt  }
0x63: {  	_ =	shalt  }
0x64: {  	_ =	shalt  }
0x65: {  	_ =	shalt  }
0x66: {  	_ =	shalt  }
0x67: {  	_ =	shalt  }
0x68: {  	_ =	shalt  }
0x69: {  	_ =	shalt  }
0x6a: {  	_ =	shalt  }
0x6b: {  	_ =	shalt  }
0x6c: {  	_ =	shalt  }
0x6d: {  	_ =	shalt  }
0x6e: {  	_ =	shalt  }
0x6f: {  	_ =	shalt  }
0x70: {  	_ =	shalt  }
0x71: {  	_ =	shalt  }
0x72: {  	_ =	shalt  }
0x73: {  	_ =	shalt  }
0x74: {  	_ =	shalt  }
0x75: {  	_ =	shalt  }
0x76: {  	_ =	shalt  }
0x77: {  	_ =	shalt  }
0x78: {  	_ =	shalt  }
0x79: {  	_ =	shalt  }
0x7a: {  	_ =	shalt  }
0x7b: {  	_ =	shalt  }
0x7c: {  	_ =	shalt  }
0x7d: {  	_ =	shalt  }
0x7e: {  	_ =	shalt  }
0x7f: {  	_ =	shalt  }
0x80: {  	_ =	shalt  }
0x81: {  	_ =	shalt  }
0x82: {  	_ =	shalt  }
0x83: {  	_ =	shalt  }
0x84: {  	_ =	shalt  }
0x85: {  	_ =	shalt  }
0x86: {  	_ =	shalt  }
0x87: {  	_ =	shalt  }
.Lfunc_end0:
.L_simem_size_0:
called_computation.3_lowered:
.L_overlay_start_0:
0x88: {  	s2 =	sld [smem:$0x3FD9]  }
0x89: {  	s3 =	sld [smem:$0x3FFE];
	_ =	sdelay $0x1  }
0x8a: {  	s1 =	srdreg.scid  }
0x8b: {  	s0 =	sand.u32 $0x1, s1  }
0x8c: {  	s17 =	sshll.u32 s0, $0xA;
	s2 =	sadd.s32 s3, s2  }
0x8d: {  	s2 =	sadd.s32 s2, s17  }
0x8e: {  	[smem:$0x3FB5] =	sst s2  }
0x8f: {  	_ = 	snop  }
0x90: {  	s2 =	sld [smem:$0x3FD0];
	(tm) =	ssettm $0x1  }
0x91: {  	s18 =	sld [smem:$0x3FFB];
	_ =	sdelay $0x3  }
0x92: {  	_ =	strace s18  }
0x93: {  	s3 =	sld [smem:$0x3FFC];
	_ =	sdelay $0x3  }
0x94: {  	_ =	strace s3  }
0x95: {  	s3 =	sld [smem:$0x3FFD];
	_ =	sdelay $0x3  }
0x96: {  	_ =	strace s3  }
0x97: {  	_ =	strace $0x8FFFFFFF  }
0x98: {  	s19 =	sld [smem:$0x3FDB];
	_ =	sdelay $0x1  }
0x99: {  	s4 =	simm.s32 $_scs_section_size  }
0x9a: {  	s5 =	simm.s32 $_size__tile_overlayer_lowered;
	s6 =	simm.s32 $_tile_overlayer_lowered  }
0x9b: {  	s22 =	simm.s32 $0x1BFF;
	s21 =	sshll.u32 s6, $0x1;
	s3 =	sadd.s32 s4, s19  }
0x9c: {  	s7 =	simm.s32 $0x0;
	s20 =	sshll.u32 s5, $0x1;
	s5 =	sadd.s32 s21, s3  }
0x9d: {  	[timem:s7], [sflag:s22] =	dma.local [hbm:s5], s20  }
0x9e: {  	_ =	swait.ge [sflag:s22], s20  }
0x9f: {  	s4 =	ssub.s32 $0x0, s20;
	[sflag:s22] =	ssyncset.done $0x0  }
0xa0: {  	[sflag:s22] =	ssyncadd.s32 s4;
	_ =	sdelay $0x1  }
0xa1: {  	s23 =	simm.s32 $0x1B8B  }
0xa2: {  	_ =	swait.ge [sflag:s23], $0x1  }
0xa3: {  	[sflag:s23] =	ssyncset.done $0x0  }
0xa4: {  	s25 =	simm.s32 $0x1B8E;
	s24 =	sld [smem:$0x3FFE];
	[sflag:s23] =	ssyncadd.s32 $0xFFFFFFFF  }
0xa5: {  	s26 =	simm.s32 $execute0_lowered;
	[smem:$0x3FD2] =	sst s25  }
0xa6: {  	s5 =	sshll.u32 s26, $0x1;
	_ =	strace $0x8000004F;
	[dreg:$0x1] =	wrdreg $0xFFFFFFFF  }
0xa7: {  	s28 =	simm.s32 $_size_execute0_lowered;
	s3 =	sadd.s32 s3, s5;
	[dreg:$0x0] =	wrdreg $0x0  }
0xa8: {  	s5 =	sshll.u32 s28, $0x1;
	[dreg:$0x2] =	wrdreg s3  }
0xa9: {  	[dreg:$0x3] =	wrdreg s5  }
0xaa: {  	[dreg:$0x4] =	wrdreg $0xC0  }
0xab: {  	_ =	task [dreg:s7], $0x5FFFF  }
0xac: {  	[dreg:$0x1] =	wrdreg $0xFFFFFFFF  }
0xad: {  	[dreg:$0x0] =	wrdreg $0x60  }
0xae: {  	[dreg:$0x2] =	wrdreg s24  }
0xaf: {  	[dreg:$0x3] =	wrdreg s2  }
0xb0: {  	[dreg:$0x4] =	wrdreg $0x8F000  }
0xb1: {  	[dreg:$0x5] =	wrdreg $0x9  }
0xb2: {  	_ =	task.clear_ibuf [dreg:s7], $0x6FFFF;
	_ =	strace $0x9000004F  }
0xb3: {  	s29 =	simm.s32 $0x9;
	_ =	strace $0x80000051  }
0xb4: {  	_ =	swait.ge [sflag:s29], $0x1  }
0xb5: {  	[sflag:s29] =	ssyncadd.s32 $0xFFFFFFFF  }
0xb6: {  	_ =	strace $0x90000051  }
0xb7: {  	_ =	sfence  }
0xb8: {  	s30 =	sld [smem:$0x0];
	_ =	sdelay $0x2  }
0xb9: {  	s31 =	sshll.u32 s1, $0xD;
	s1 =	sshrl.u32 s1, $0x2  }
0xba: {  	s3 =	sand.u32 $0x4000, s31;
	s1 =	sadd.s32 s1, s30  }
0xbb: {  	s0 =	sor.u32 s3, s0;
	s1 =	sshll.u32 s1, $0x11  }
0xbc: {  	s0 =	sor.u32 s1, s0  }
0xbd: {  	s0 =	sadd.s32 $0x8F2B, s0  }
0xbe: {  	[sflag:s0] =	ssyncadd.remote.s32 $0x1  }
0xbf: {  	_ =	sfence.sel $0xFFFF  }
0xc0: {  	[dreg:$0x0] =	wrdreg $0xFFFFFFFF;
	(pc) =	sbr.abs _section_cstart, $3  }
0xc1: {  	[dreg:$0x1] =	wrdreg $0xFFFFFFFF  }
0xc2: {  	_ =	task.clear_ibuf [dreg:s7], $0x2FFFF;
	_ =	strace $0x9FFFFFFF  }
0xc3: {  	(tm) =	ssettm $0x7FFFFFFF  }
tec
execute0_lowered:
.L_overlay_start_1:
0x0: {  	(tag) =	ssettag $0x1  }
0x1: {  	s5 =	rddreg [dreg:$0x0]  }
0x2: {  	s10 =	rddreg [dreg:$0x1]  }
0x3: {  	s1 =	rddreg [dreg:$0x2]  }
0x4: {  	s0 =	rddreg [dreg:$0x3]  }
0x5: {  	s3 =	simm.s32 $0x0;
	s2 =	stileid.u32;
	s6 =	srdreg.scid  }
0x6: {  	[smem:$0x7FF] =	sst s3;
	s11 =	smul.u32 $0x2780, s2  }
0x7: {  	s7 =	sadd.s32 $0xAE800, s5;
	s4 =	sadd.s32 $0xC2400, s5;
	s26 =	smul.u32 $0x4F000, s2  }
0x8: {  	s12 =	sadd.s32 $0x110E00, s5;
	s8 =	sand.u32 $0x1, s6;
	s15 =	smul.u32 $0x9E00, s2  }
0x9: {  	s13 =	sadd.s32 $0x138000, s5;
	s29 =	sshll.u32 s2, $0x6;
	s30 =	smul.u32 $0x13C0, s2  }
0xa: {  	_ =	strace $0x80000050;
	s28 =	ssub.s32 $0x2, s8;
	p0 =	seq.s32 s8, $0x1  }
0xb: {  	s9 =	sadd.s32 s11, s5;
	s14 =	sshrl.u32 s28, $0x1;
	s6 =	sshrl.u32 s26, $0x2  }
0xc: {  	s15 =	sshrl.u32 s15, $0x3;
	s10 =	smov.u32 @p0 s13;
	s4 =	smov.u32 @p0 s12  }
0xd: {  	s12 =	simm.s32 $0x2;
	s13 =	simm.s32 $0x80;
	s14 =	ssub.s32 s28, s14  }
0xe: {  	s16 =	sadd.s32 s6, s1;
	s5 =	sadd.s32 $0x10E00, s9;
	s6 =	sor.u32 $0x1C02, s29  }
0xf: {  	s31 =	sadd.s32 s7, s15;
	s7 =	sadd.s32 s7, s30;
	s10 =	sadd.s32 s10, s11  }
0x10: {  	s15 =	simm.s32 $0x1;
	s8 =	sadd.s32 $0x9E0, s31;
	s9 =	smax.u32 s14, $0x1  }
0x11: {  	s11 =	sshrl.u32 s16, $0x3;
	s14 =	simm.s32 $0x4F00;
	s16 =	simm.s32 $0x0  }
.LBB2_1:
0x12: {  	[spmem:s11], [sflag:s6] =	dma.local [hbm:s5], $0x2780  }
0x13: {  	_ =	swait.ge [sflag:s12], $0x2780  }
0x14: {  	[sflag:s12] =	ssyncset.done $0x0  }
0x15: {  	[sflag:s12] =	ssyncadd.s32 $0xFFFFD880  }
0x16: {  	[bflag:$0x0] =	sbarrier.arrive $0xFFFF  }
0x17: {  	[tilespmem:s3], [sflag:$0x2] =	stream.linear.gather [hbm4b:s7+s3], $0x4F00, $0x38;
	[tilespmem:$0x1CB00] =	vst v63  }
0x18: {  	_ =	swait.ge [sflag:s12], $0x4F00  }
0x19: {  	[sflag:s12] =	ssyncset.done $0x0  }
0x1a: {  	s17 =	simm.s32 $0x0;
	[sflag:s12] =	ssyncadd.s32 $0xFFFFB100  }
0x1b: {  	[tilespmem:s14], [sflag:$0x1] =	stream.indirect.gather [hbm4b:s4+s13], $0x80, s17, s13, $0xb8;
	[tilespmem:$0x1CB00] =	vst v63  }
0x1c: {  	_ =	swait.ge [sflag:s15], $0x4000  }
0x1d: {  	[sflag:s15] =	ssyncset.done $0x0  }
0x1e: {  	s31 =	simm.s32 $0x80;
	[sflag:s15] =	ssyncadd.s32 $0xFFFFC000  }
0x1f: {  	[spmem:s1] =	stream.indirect.scatter.add.f32 [tilespmem:s14], [sflag:$0x2], $0x80, s31, s13, $0xb8;
	[tilespmem:$0x1CB00] =	vst v63  }
0x20: {  	_ =	swait.ge [sflag:s12], $0x4000  }
0x21: {  	s18 =	simm.s32 $0x800;
	s17 =	simm.s32 $0x400;
	[sflag:s12] =	ssyncset.done $0x0  }
.LBB2_2:
0x22: {  	s19 =	sshra.s32 s17, $0x2  }
0x23: {  	[sflag:s12] =	ssyncadd.s32 $0xFFFFC000;
	s17 =	smov.u32 s18;
	s20 =	sadd.s32 $0x400, s18  }
0x24: {  	[tilespmem:s14], [sflag:$0x1] =	stream.indirect.gather [hbm4b:s4+s13], $0x80, s19, s13, $0xb8;
	[tilespmem:$0x1CB00] =	vst v63  }
0x25: {  	p0 =	sne.s32 s18, $0x13800;
	_ =	swait.ge [sflag:s15], $0x4000  }
.Ltmp0:
0x26: {  	[sflag:s15] =	ssyncset.done $0x0;
	(pc) =	sbr.rel @p0 .LBB2_2-.Ltmp0, $4  }
0x27: {  	s18 =	sadd.s32 $0x80, s19;
	[sflag:s15] =	ssyncadd.s32 $0xFFFFC000  }
0x28: {  	[spmem:s1] =	stream.indirect.scatter.add.f32 [tilespmem:s14], [sflag:$0x2], $0x80, s18, s13, $0xb8;
	[tilespmem:$0x1CB00] =	vst v63  }
0x29: {  	_ =	swait.ge [sflag:s12], $0x4000  }
0x2a: {  	s18 =	smov.u32 s20;
	[sflag:s12] =	ssyncset.done $0x0  }
0x2b: {  	s17 =	sshra.s32 s17, $0x2;
	[sflag:s12] =	ssyncadd.s32 $0xFFFFC000  }
0x2c: {  	[tilespmem:s14], [sflag:$0x1] =	stream.indirect.gather [hbm4b:s4+s13], $0x80, s17, s13, $0xb8;
	[tilespmem:$0x1CB00] =	vst v63  }
0x2d: {  	_ =	swait.ge [sflag:s15], $0x4000  }
0x2e: {  	[sflag:s15] =	ssyncset.done $0x0  }
0x2f: {  	s17 =	sadd.s32 $0x80, s17;
	[sflag:s15] =	ssyncadd.s32 $0xFFFFC000  }
0x30: {  	[spmem:s1] =	stream.indirect.scatter.add.f32 [tilespmem:s14], [sflag:$0x2], $0x80, s17, s13, $0xb8;
	[tilespmem:$0x1CB00] =	vst v63  }
0x31: {  	_ =	swait.ge [sflag:s12], $0x4000  }
0x32: {  	[sflag:s12] =	ssyncset.done $0x0  }
0x33: {  	s29 =	simm.s32 $0x0;
	[sflag:s12] =	ssyncadd.s32 $0xFFFFC000  }
0x34: {  	[tilespmem:s29], [sflag:$0x2] =	stream.linear.gather [hbm4b:s8+s29], $0x4F00, $0x38;
	[tilespmem:$0x1CB00] =	vst v63  }
0x35: {  	_ =	swait.ge [sflag:s12], $0x4F00  }
0x36: {  	[sflag:s12] =	ssyncset.done $0x0  }
0x37: {  	s30 =	simm.s32 $0x0;
	[sflag:s12] =	ssyncadd.s32 $0xFFFFB100  }
0x38: {  	[tilespmem:s14], [sflag:$0x1] =	stream.indirect.gather [hbm4b:s4+s13], $0x80, s30, s13, $0xb8;
	[tilespmem:$0x1CB00] =	vst v63  }
0x39: {  	_ =	swait.ge [sflag:s15], $0x4000  }
0x3a: {  	[sflag:s15] =	ssyncset.done $0x0  }
0x3b: {  	s31 =	simm.s32 $0x80;
	[sflag:s15] =	ssyncadd.s32 $0xFFFFC000  }
0x3c: {  	[spmem:s1] =	stream.indirect.scatter.add.f32 [tilespmem:s14], [sflag:$0x2], $0x80, s31, s13, $0xb8;
	[tilespmem:$0x1CB00] =	vst v63  }
0x3d: {  	_ =	swait.ge [sflag:s12], $0x4000  }
0x3e: {  	s18 =	simm.s32 $0x800;
	s17 =	simm.s32 $0x400;
	[sflag:s12] =	ssyncset.done $0x0  }
.LBB2_4:
0x3f: {  	s19 =	sshra.s32 s17, $0x2  }
0x40: {  	[sflag:s12] =	ssyncadd.s32 $0xFFFFC000;
	s17 =	smov.u32 s18;
	s20 =	sadd.s32 $0x400, s18  }
0x41: {  	[tilespmem:s14], [sflag:$0x1] =	stream.indirect.gather [hbm4b:s4+s13], $0x80, s19, s13, $0xb8;
	[tilespmem:$0x1CB00] =	vst v63  }
0x42: {  	p0 =	sne.s32 s18, $0x13800;
	_ =	swait.ge [sflag:s15], $0x4000  }
.Ltmp1:
0x43: {  	[sflag:s15] =	ssyncset.done $0x0;
	(pc) =	sbr.rel @p0 .LBB2_4-.Ltmp1, $4  }
0x44: {  	s18 =	sadd.s32 $0x80, s19;
	[sflag:s15] =	ssyncadd.s32 $0xFFFFC000  }
0x45: {  	[spmem:s1] =	stream.indirect.scatter.add.f32 [tilespmem:s14], [sflag:$0x2], $0x80, s18, s13, $0xb8;
	[tilespmem:$0x1CB00] =	vst v63  }
0x46: {  	_ =	swait.ge [sflag:s12], $0x4000  }
0x47: {  	s18 =	smov.u32 s20;
	[sflag:s12] =	ssyncset.done $0x0  }
0x48: {  	s17 =	sshra.s32 s17, $0x2;
	[sflag:s12] =	ssyncadd.s32 $0xFFFFC000  }
0x49: {  	[tilespmem:s14], [sflag:$0x1] =	stream.indirect.gather [hbm4b:s4+s13], $0x80, s17, s13, $0xb8;
	[tilespmem:$0x1CB00] =	vst v63  }
0x4a: {  	_ =	swait.ge [sflag:s15], $0x4000  }
0x4b: {  	[sflag:s15] =	ssyncset.done $0x0  }
0x4c: {  	s17 =	sadd.s32 $0x80, s17;
	[sflag:s15] =	ssyncadd.s32 $0xFFFFC000  }
0x4d: {  	[spmem:s1] =	stream.indirect.scatter.add.f32 [tilespmem:s14], [sflag:$0x2], $0x80, s17, s13, $0xb8;
	[tilespmem:$0x1CB00] =	vst v63  }
0x4e: {  	_ =	swait.ge [sflag:s12], $0x4000  }
0x4f: {  	s16 =	sadd.s32 $0x1, s16;
	[sflag:s12] =	ssyncset.done $0x0  }
0x50: {  	p0 =	sne.s32 s16, s9;
	[sflag:s12] =	ssyncadd.s32 $0xFFFFC000  }
.Ltmp2:
0x51: {  	[bflag:$0x0] =	sbarrier.arrive $0xFFFF;
	(pc) =	sbr.rel @p0 .LBB2_1-.Ltmp2, $4  }
0x52: {  	[hbm:s10], [sflag:s6] =	dma.local [spmem:s11], $0x2780  }
0x53: {  	_ =	swait.ge [sflag:s12], $0x2780  }
0x54: {  	[sflag:s12] =	ssyncset.done $0x0  }
0x55: {  	[sflag:s12] =	ssyncadd.s32 $0xFFFFD880  }
0x56: {  	_ =	sfence.sel $0x180000  }
0x57: {  	[bflag:$0x0] =	sbarrier.arrive $0xFFFF  }
0x58: {  	p0 =	sne.s32 s2, $0x0;
	_ =	strace $0x90000050  }
0x59: {  	s0 =	sadd.s32 @!p0 $0x100000, s0;
	[bflag:$0x2] =	sbarrier.arrive $0xFFFF  }
0x5a: {  	[sflag:s0] =	ssyncadd.tile.s32 @!p0 $0x1;
	_ =	shalt  }
.Lfunc_end2:
_tile_overlayer_lowered:
.L_overlay_start_2:
0x5b: {  	(tag) =	ssettag $0x2  }
0x5c: {  	s0 =	rddreg [dreg:$0x0];
	s2 =	stileid.u32  }
0x5d: {  	s1 =	rddreg [dreg:$0x1];
	p0 =	sne.s32 s2, $0x0  }
0x5e: {  	s3 =	rddreg [dreg:$0x2];
	[bflag:$0x3] =	sbarrier.arrive $0xFFFF;
	s2 =	simm.s32 @!p0 $0x1C02  }
0x5f: {  	[timem:s3], [sflag:s2] =	dma.local @!p0 [hbm:s0], s1  }
0x60: {  	s0 =	simm.s32 @!p0 $0x2  }
0x61: {  	_ =	swait.ge @!p0 [sflag:s0], s1  }
0x62: {  	s1 =	ssub.s32 @!p0 $0x0, s1;
	[sflag:s0] =	ssyncset.done @!p0 $0x0  }
0x63: {  	[sflag:s0] =	ssyncadd.s32 @!p0 s1  }
0x64: {  	[bflag:$0x3] =	sbarrier.arrive $0xFFFF  }
0x65: {  	_ =	shalt  }

</sc_bundles>
